<compile_context>
chip_gen: v7x
topology: tpu7x:2x2x1
jax: 0.10.2.dev20260603
libtpu: 0.0.44.dev20260713+nightly
codegen_flags: <defaults>
</compile_context>

<pallas_src>
import functools

import jax
import jax.numpy as jnp
from jax import lax
from jax.experimental import pallas as pl
from jax.experimental.pallas import tpu as pltpu, tpu_sc as plsc

NC = 2
NS = 16
L = 16
NW = NC * NS

B = 1024
W = 50
C = 16
DW = 300
DWP = 384
REC = 128
NR = DWP // REC
DC = 64
DOUT = DW + DC
TOK = B * W
TPW = TOK // NW
CHUNK = 80
NCHUNK = TPW // CHUNK
G = CHUNK // L
RLEN = (REC, REC, DW - 2 * REC)


def _body(widx_hbm, cidx_hbm, wtab_hbm, ctab_hbm, out_hbm,
          widx_v, cidx_v, rec_v, rows_v, comb_v, ctab_v, sem_g):
    wid = lax.axis_index("s") * NC + lax.axis_index("c")
    base0 = wid * TPW

    pltpu.sync_copy(ctab_hbm, ctab_v)
    zeros = jnp.zeros((L,), jnp.float32)
    for j in range(DC // L):
        ctab_v[0, pl.ds(j * L, L)] = zeros

    pltpu.sync_copy(widx_hbm.at[pl.ds(base0, TPW)], widx_v)
    pltpu.sync_copy(cidx_hbm.at[:, pl.ds(base0, TPW)], cidx_v)

    def rgroup(i, carry):
        off = pl.multiple_of(i * L, 8)
        w = widx_v[pl.ds(off, L)]
        w3 = w + w + w
        rec_v[0, pl.ds(off, L)] = w3
        rec_v[1, pl.ds(off, L)] = w3 + 1
        rec_v[2, pl.ds(off, L)] = w3 + 2
        return carry

    lax.fori_loop(0, TPW // L, rgroup, 0)

    lane_iota = lax.iota(jnp.int32, L)

    def chunk_body(k, carry0):
        lbase = pl.multiple_of(k * CHUNK, 8)
        base = base0 + lbase
        gathers = [
            pltpu.async_copy(
                wtab_hbm.at[rec_v.at[t, pl.ds(lbase, CHUNK)]],
                rows_v.at[pl.ds(t * CHUNK, CHUNK), :], sem_g)
            for t in range(NR)
        ]

        def pool_group(g, carry):
            gbase = pl.multiple_of(lbase + g * L, 8)
            cvecs = [cidx_v[c, pl.ds(gbase, L)] for c in range(C)]
            tok = lane_iota + g * L

            def dbody(d, c2):
                dcol = jnp.full((L,), d, jnp.int32)
                acc = plsc.load_gather(ctab_v, [cvecs[0], dcol])
                for c in range(1, C):
                    acc = jnp.maximum(
                        acc, plsc.load_gather(ctab_v, [cvecs[c], dcol]))
                plsc.store_scatter(comb_v, [tok, dcol + DW], acc)
                return c2

            return lax.fori_loop(0, DC, dbody, carry, unroll=2)

        lax.fori_loop(0, G, pool_group, 0)

        for gth in gathers:
            gth.wait()

        def copy_group(g, carry):
            tok = lane_iota + g * L
            for t in range(NR):
                tokr = tok + t * CHUNK

                def wbody(d, c2, _t=t, _tokr=tokr):
                    dcol = jnp.full((L,), d, jnp.int32)
                    vals = plsc.load_gather(rows_v, [_tokr, dcol])
                    plsc.store_scatter(
                        comb_v, [tok, dcol + _t * REC], vals)
                    return c2

                carry = lax.fori_loop(0, RLEN[t], wbody, carry, unroll=4)
            return carry

        lax.fori_loop(0, G, copy_group, 0)

        pltpu.sync_copy(comb_v, out_hbm.at[pl.ds(base, CHUNK), :])
        return carry0

    lax.fori_loop(0, NCHUNK, chunk_body, 0)


@functools.partial(jax.jit, static_argnames=())
def kernel(word_encoding, char_encoding, word_table, char_table):
    widx = word_encoding.reshape(TOK).astype(jnp.int32)
    cidx = char_encoding.reshape(TOK, C).T.astype(jnp.int32)
    wtabr = jnp.pad(word_table, ((0, 0), (0, DWP - DW))).reshape(-1, REC)

    mesh = plsc.VectorSubcoreMesh(core_axis_name="c", subcore_axis_name="s")
    run = pl.kernel(
        _body,
        out_type=jax.ShapeDtypeStruct((TOK, DOUT), jnp.float32),
        mesh=mesh,
        compiler_params=pltpu.CompilerParams(
            use_tc_tiling_on_sc=False, needs_layout_passes=False),
        scratch_types=[
            pltpu.VMEM((TPW,), jnp.int32),
            pltpu.VMEM((C, TPW), jnp.int32),
            pltpu.VMEM((NR, TPW), jnp.int32),
            pltpu.VMEM((NR * CHUNK, REC), jnp.float32),
            pltpu.VMEM((CHUNK, DOUT), jnp.float32),
            pltpu.VMEM((128, DC), jnp.float32),
            pltpu.SemaphoreType.DMA,
        ],
    )
    out = run(widx, cidx, wtabr, char_table)
    return out.reshape(B, W, DOUT)

# --- scband reference (transcript-rebuilt; emitter-appended) ---
"""Pipeline reference for scband-word-char-pool-combined-embeddor-9096740733628 (READ-ONLY COPY).

The authoritative reference and input builder live on the scoring server;
editing this copy changes nothing except your own understanding.
"""

import jax, jax.numpy as jnp
import numpy as np


def setup_inputs(seed: int = 0) -> dict:
    key = jax.random.key(seed)
    k1, k2, k3, k4 = jax.random.split(key, 4)
    word_encoding = jax.random.randint(k1, (1024, 50), 0, 100000)
    char_encoding = jax.random.randint(k2, (1024, 50, 16), 0, 128)
    # learned parameters
    word_table = jax.random.normal(k3, (100000, 300), dtype=jnp.float32) * 0.02
    char_table = jax.random.normal(k4, (128, 64), dtype=jnp.float32) * 0.02
    return {
        "word_encoding": word_encoding,
        "char_encoding": char_encoding,
        "word_table": word_table,
        "char_table": char_table,
    }


def reference(word_encoding, char_encoding, word_table, char_table):
    # WordEmbeddor: plain embedding lookup
    word_emb = jnp.take(word_table, word_encoding, axis=0)  # (B, W, 300)
    # PoolingCharEmbeddor: embedding with padding_idx=0 (row 0 forced to zero),
    # then max-pool over the char axis
    ct = char_table.at[0].set(0.0)
    char_emb = jnp.take(ct, char_encoding, axis=0)  # (B, W, C, 64)
    pooled = jnp.max(char_emb, axis=2)  # (B, W, 64)
    # concat along embedding dim
    combined = jnp.concatenate([word_emb, pooled], axis=2)  # (B, W, 364)
    return combined

if __name__ == "__main__":
    import jax
    _d = setup_inputs()
    print(jax.jit(kernel)(*tuple(_d.values())))

</pallas_src>

<mosaic_0001>
#map = affine_map<(d0, d1) -> (0)>
#map1 = affine_map<(d0, d1) -> (0, 0)>
module attributes {stable_mosaic.version = 14 : i64} {
  func.func @_body(%arg0: i32, %arg1: i32, %arg2: memref<51200xi32, #tpu.memory_space<hbm>>, %arg3: memref<16x51200xi32, #tpu.memory_space<hbm>>, %arg4: memref<300000x128xf32, #tpu.memory_space<hbm>>, %arg5: memref<128x64xf32, #tpu.memory_space<hbm>>, %arg6: memref<51200x364xf32, #tpu.memory_space<hbm>>, %arg7: memref<1600xi32, #tpu.memory_space<vmem>>, %arg8: memref<16x1600xi32, #tpu.memory_space<vmem>>, %arg9: memref<3x1600xi32, #tpu.memory_space<vmem>>, %arg10: memref<240x128xf32, #tpu.memory_space<vmem>>, %arg11: memref<80x364xf32, #tpu.memory_space<vmem>>, %arg12: memref<128x64xf32, #tpu.memory_space<vmem>>, %arg13: memref<!tpu.dma_semaphore, #tpu.memory_space<semaphore_mem>>) attributes {dimension_semantics = [#tpu.dimension_semantics<core_parallel>, #tpu.dimension_semantics<subcore_parallel>], iteration_bounds = array<i64: 2, 16>, scalar_prefetch = 0 : i64, scratch_operands = 7 : i64, tpu.core_type = #tpu.core_type<sc_vector_subcore>, window_params = [{transform_indices = #map}, {transform_indices = #map1}, {transform_indices = #map1}, {transform_indices = #map1}, {transform_indices = #map1}]} {
    %mul3A = arith.constant 2 : i32
    %mul3A_0 = arith.muli %arg1, %mul3A : i32
    %add3A = arith.addi %mul3A_0, %arg0 : i32
    %mul3A_1 = arith.constant 1600 : i32
    %mul3A_2 = arith.muli %add3A, %mul3A_1 : i32
    "tpu.region"() ({
      %run_scoped3A = tpu.sem_alloc : memref<!tpu.dma_semaphore, #tpu.memory_space<semaphore_mem>>
      tpu.enqueue_dma source(%arg5 : memref<128x64xf32, #tpu.memory_space<hbm>>) target(%arg12 : memref<128x64xf32, #tpu.memory_space<vmem>>) target_semaphore(%run_scoped3A : memref<!tpu.dma_semaphore, #tpu.memory_space<semaphore_mem>>)
      tpu.wait_dma2 semaphore(%run_scoped3A : memref<!tpu.dma_semaphore, #tpu.memory_space<semaphore_mem>>) src(%arg5 : memref<128x64xf32, #tpu.memory_space<hbm>>) dst(%arg12 : memref<128x64xf32, #tpu.memory_space<vmem>>)
      tpu.yield
    }) : () -> ()
    %broadcast_in_dim3A = arith.constant 0.000000e+00 : f32
    %broadcast_in_dim3A_3 = vector.broadcast %broadcast_in_dim3A : f32 to vector<16xf32>
    %swap3A = arith.constant 0 : i32
    %swap3A_4 = arith.index_cast %swap3A : i32 to index
    %swap3A_5 = arith.constant 0 : index
    %swap3A_6 = tpu.vector_load %arg12[%swap3A_4, %swap3A_5] {strides = array<i32>} : memref<128x64xf32, #tpu.memory_space<vmem>>, vector<16xf32>,
    tpu.vector_store %arg12[%swap3A_4, %swap3A_5], %broadcast_in_dim3A_3 {strides = array<i32>} : memref<128x64xf32, #tpu.memory_space<vmem>>, vector<16xf32>,
    %swap3A_7 = arith.constant 0 : i32
    %swap3A_8 = arith.index_cast %swap3A_7 : i32 to index
    %swap3A_9 = arith.constant 16 : index
    %swap3A_10 = tpu.vector_load %arg12[%swap3A_8, %swap3A_9] {strides = array<i32>} : memref<128x64xf32, #tpu.memory_space<vmem>>, vector<16xf32>,
    tpu.vector_store %arg12[%swap3A_8, %swap3A_9], %broadcast_in_dim3A_3 {strides = array<i32>} : memref<128x64xf32, #tpu.memory_space<vmem>>, vector<16xf32>,
    %swap3A_11 = arith.constant 0 : i32
    %swap3A_12 = arith.index_cast %swap3A_11 : i32 to index
    %swap3A_13 = arith.constant 32 : index
    %swap3A_14 = tpu.vector_load %arg12[%swap3A_12, %swap3A_13] {strides = array<i32>} : memref<128x64xf32, #tpu.memory_space<vmem>>, vector<16xf32>,
    tpu.vector_store %arg12[%swap3A_12, %swap3A_13], %broadcast_in_dim3A_3 {strides = array<i32>} : memref<128x64xf32, #tpu.memory_space<vmem>>, vector<16xf32>,
    %swap3A_15 = arith.constant 0 : i32
    %swap3A_16 = arith.index_cast %swap3A_15 : i32 to index
    %swap3A_17 = arith.constant 48 : index
    %swap3A_18 = tpu.vector_load %arg12[%swap3A_16, %swap3A_17] {strides = array<i32>} : memref<128x64xf32, #tpu.memory_space<vmem>>, vector<16xf32>,
    tpu.vector_store %arg12[%swap3A_16, %swap3A_17], %broadcast_in_dim3A_3 {strides = array<i32>} : memref<128x64xf32, #tpu.memory_space<vmem>>, vector<16xf32>,
    "tpu.region"() ({
      %run_scoped3A = tpu.sem_alloc : memref<!tpu.dma_semaphore, #tpu.memory_space<semaphore_mem>>
      %dma_start3A = tpu.memref_slice %arg2[%mul3A_2] : memref<51200xi32, #tpu.memory_space<hbm>> -> memref<1600xi32, #tpu.memory_space<hbm>>
      %dma_start3A_30 = tpu.memref_slice %arg2[%mul3A_2] : memref<51200xi32, #tpu.memory_space<hbm>> -> memref<1600xi32, #tpu.memory_space<hbm>>
      tpu.enqueue_dma source(%dma_start3A_30 : memref<1600xi32, #tpu.memory_space<hbm>>) target(%arg7 : memref<1600xi32, #tpu.memory_space<vmem>>) target_semaphore(%run_scoped3A : memref<!tpu.dma_semaphore, #tpu.memory_space<semaphore_mem>>)
      %dma_wait3A = tpu.memref_slice %arg2[%mul3A_2] : memref<51200xi32, #tpu.memory_space<hbm>> -> memref<1600xi32, #tpu.memory_space<hbm>>
      %dma_wait3A_31 = tpu.memref_slice %arg2[%mul3A_2] : memref<51200xi32, #tpu.memory_space<hbm>> -> memref<1600xi32, #tpu.memory_space<hbm>>
      tpu.wait_dma2 semaphore(%run_scoped3A : memref<!tpu.dma_semaphore, #tpu.memory_space<semaphore_mem>>) src(%dma_wait3A_31 : memref<1600xi32, #tpu.memory_space<hbm>>) dst(%arg7 : memref<1600xi32, #tpu.memory_space<vmem>>)
      tpu.yield
    }) : () -> ()
    "tpu.region"() ({
      %run_scoped3A = tpu.sem_alloc : memref<!tpu.dma_semaphore, #tpu.memory_space<semaphore_mem>>
      %dma_start3A = arith.constant 0 : i32
      %dma_start3A_30 = tpu.memref_slice %arg3[%dma_start3A, %mul3A_2] : memref<16x51200xi32, #tpu.memory_space<hbm>> -> memref<16x1600xi32, #tpu.memory_space<hbm>>
      %dma_start3A_31 = arith.constant 0 : i32
      %dma_start3A_32 = tpu.memref_slice %arg3[%dma_start3A_31, %mul3A_2] : memref<16x51200xi32, #tpu.memory_space<hbm>> -> memref<16x1600xi32, #tpu.memory_space<hbm>>
      tpu.enqueue_dma source(%dma_start3A_32 : memref<16x1600xi32, #tpu.memory_space<hbm>>) target(%arg8 : memref<16x1600xi32, #tpu.memory_space<vmem>>) target_semaphore(%run_scoped3A : memref<!tpu.dma_semaphore, #tpu.memory_space<semaphore_mem>>)
      %dma_wait3A = arith.constant 0 : i32
      %dma_wait3A_33 = tpu.memref_slice %arg3[%dma_wait3A, %mul3A_2] : memref<16x51200xi32, #tpu.memory_space<hbm>> -> memref<16x1600xi32, #tpu.memory_space<hbm>>
      %dma_wait3A_34 = arith.constant 0 : i32
      %dma_wait3A_35 = tpu.memref_slice %arg3[%dma_wait3A_34, %mul3A_2] : memref<16x51200xi32, #tpu.memory_space<hbm>> -> memref<16x1600xi32, #tpu.memory_space<hbm>>
      tpu.wait_dma2 semaphore(%run_scoped3A : memref<!tpu.dma_semaphore, #tpu.memory_space<semaphore_mem>>) src(%dma_wait3A_35 : memref<16x1600xi32, #tpu.memory_space<hbm>>) dst(%arg8 : memref<16x1600xi32, #tpu.memory_space<vmem>>)
      tpu.yield
    }) : () -> ()
    %scan3A = arith.constant 0 : i32
    %scan3A_19 = arith.constant 0 : i32
    %scan3A_20 = arith.constant 100 : i32
    %scan3A_21 = arith.addi %scan3A_19, %scan3A_20 : i32
    %scan3A_22 = arith.constant 1 : i32
    scf.for %scan3A_30 = %scan3A_19 to %scan3A_21 step %scan3A_22  : i32 {
      %mul3A_31 = arith.constant 16 : i32
      %mul3A_32 = arith.muli %scan3A_30, %mul3A_31 : i32
      %multiple_of3A = tpu.assume_multiple %mul3A_32, 8 : i32
      %get3A = arith.index_cast %multiple_of3A : i32 to index
      %get3A_33 = tpu.vector_load %arg7[%get3A] {strides = array<i32>} : memref<1600xi32, #tpu.memory_space<vmem>>, vector<16xi32>,
      %add3A_34 = arith.addi %get3A_33, %get3A_33 : vector<16xi32>
      %add3A_35 = arith.addi %add3A_34, %get3A_33 : vector<16xi32>
      %swap3A_36 = arith.constant 0 : i32
      %swap3A_37 = arith.index_cast %swap3A_36 : i32 to index
      %swap3A_38 = arith.index_cast %multiple_of3A : i32 to index
      %swap3A_39 = tpu.vector_load %arg9[%swap3A_37, %swap3A_38] {strides = array<i32>} : memref<3x1600xi32, #tpu.memory_space<vmem>>, vector<16xi32>,
      tpu.vector_store %arg9[%swap3A_37, %swap3A_38], %add3A_35 {strides = array<i32>} : memref<3x1600xi32, #tpu.memory_space<vmem>>, vector<16xi32>,
      %add3A_40 = arith.constant 1 : i32
      %add3A_41 = vector.broadcast %add3A_40 : i32 to vector<16xi32>
      %add3A_42 = arith.addi %add3A_35, %add3A_41 : vector<16xi32>
      %swap3A_43 = arith.constant 1 : i32
      %swap3A_44 = arith.index_cast %swap3A_43 : i32 to index
      %swap3A_45 = arith.index_cast %multiple_of3A : i32 to index
      %swap3A_46 = tpu.vector_load %arg9[%swap3A_44, %swap3A_45] {strides = array<i32>} : memref<3x1600xi32, #tpu.memory_space<vmem>>, vector<16xi32>,
      tpu.vector_store %arg9[%swap3A_44, %swap3A_45], %add3A_42 {strides = array<i32>} : memref<3x1600xi32, #tpu.memory_space<vmem>>, vector<16xi32>,
      %add3A_47 = arith.constant 2 : i32
      %add3A_48 = vector.broadcast %add3A_47 : i32 to vector<16xi32>
      %add3A_49 = arith.addi %add3A_35, %add3A_48 : vector<16xi32>
      %swap3A_50 = arith.constant 2 : i32
      %swap3A_51 = arith.index_cast %swap3A_50 : i32 to index
      %swap3A_52 = arith.index_cast %multiple_of3A : i32 to index
      %swap3A_53 = tpu.vector_load %arg9[%swap3A_51, %swap3A_52] {strides = array<i32>} : memref<3x1600xi32, #tpu.memory_space<vmem>>, vector<16xi32>,
      tpu.vector_store %arg9[%swap3A_51, %swap3A_52], %add3A_49 {strides = array<i32>} : memref<3x1600xi32, #tpu.memory_space<vmem>>, vector<16xi32>,
    }
    %scan3A_23 = arith.constant 100 : i32
    %iota3A = tpu.iota {dimensions = array<i32: 0>} : vector<16xi32>
    %scan3A_24 = arith.constant 0 : i32
    %scan3A_25 = arith.constant 0 : i32
    %scan3A_26 = arith.constant 20 : i32
    %scan3A_27 = arith.addi %scan3A_25, %scan3A_26 : i32
    %scan3A_28 = arith.constant 1 : i32
    scf.for %scan3A_30 = %scan3A_25 to %scan3A_27 step %scan3A_28  : i32 {
      %mul3A_31 = arith.constant 80 : i32
      %mul3A_32 = arith.muli %scan3A_30, %mul3A_31 : i32
      %multiple_of3A = tpu.assume_multiple %mul3A_32, 8 : i32
      %add3A_33 = arith.addi %mul3A_2, %multiple_of3A : i32
      %dma_start3A = arith.constant 0 : i32
      %dma_start3A_34 = arith.constant 0 : i32
      %dma_start3A_35 = arith.constant 0 : i32
      %dma_start3A_36 = tpu.memref_slice %arg10[%dma_start3A_34, %dma_start3A_35] : memref<240x128xf32, #tpu.memory_space<vmem>> -> memref<80x128xf32, #tpu.memory_space<vmem>>
      %dma_start3A_37 = tpu.memref_slice %arg9[%dma_start3A, %multiple_of3A] : memref<3x1600xi32, #tpu.memory_space<vmem>> -> memref<1x80xi32, #tpu.memory_space<vmem>>
      %dma_start3A_38 = tpu.memref_squeeze %dma_start3A_37 : memref<1x80xi32, #tpu.memory_space<vmem>> -> memref<80xi32, #tpu.memory_space<vmem>>
      %dma_start3A_39 = arith.constant 0 : i32
      %dma_start3A_40 = arith.constant 0 : i32
      %dma_start3A_41 = tpu.memref_slice %arg4[%dma_start3A_39, %dma_start3A_40] : memref<300000x128xf32, #tpu.memory_space<hbm>> -> memref<300000x128xf32, #tpu.memory_space<hbm>>
      tpu.enqueue_indirect_dma source(%dma_start3A_41 : memref<300000x128xf32, #tpu.memory_space<hbm>>) target(%dma_start3A_36 : memref<80x128xf32, #tpu.memory_space<vmem>>) offsets(%dma_start3A_38 : memref<80xi32, #tpu.memory_space<vmem>>) semaphore(%arg13 : memref<!tpu.dma_semaphore, #tpu.memory_space<semaphore_mem>>)
      %dma_start3A_42 = arith.constant 1 : i32
      %dma_start3A_43 = arith.constant 80 : i32
      %dma_start3A_44 = arith.constant 0 : i32
      %dma_start3A_45 = tpu.memref_slice %arg10[%dma_start3A_43, %dma_start3A_44] : memref<240x128xf32, #tpu.memory_space<vmem>> -> memref<80x128xf32, #tpu.memory_space<vmem>>
      %dma_start3A_46 = tpu.memref_slice %arg9[%dma_start3A_42, %multiple_of3A] : memref<3x1600xi32, #tpu.memory_space<vmem>> -> memref<1x80xi32, #tpu.memory_space<vmem>>
      %dma_start3A_47 = tpu.memref_squeeze %dma_start3A_46 : memref<1x80xi32, #tpu.memory_space<vmem>> -> memref<80xi32, #tpu.memory_space<vmem>>
      %dma_start3A_48 = arith.constant 0 : i32
      %dma_start3A_49 = arith.constant 0 : i32
      %dma_start3A_50 = tpu.memref_slice %arg4[%dma_start3A_48, %dma_start3A_49] : memref<300000x128xf32, #tpu.memory_space<hbm>> -> memref<300000x128xf32, #tpu.memory_space<hbm>>
      tpu.enqueue_indirect_dma source(%dma_start3A_50 : memref<300000x128xf32, #tpu.memory_space<hbm>>) target(%dma_start3A_45 : memref<80x128xf32, #tpu.memory_space<vmem>>) offsets(%dma_start3A_47 : memref<80xi32, #tpu.memory_space<vmem>>) semaphore(%arg13 : memref<!tpu.dma_semaphore, #tpu.memory_space<semaphore_mem>>)
      %dma_start3A_51 = arith.constant 2 : i32
      %dma_start3A_52 = arith.constant 160 : i32
      %dma_start3A_53 = arith.constant 0 : i32
      %dma_start3A_54 = tpu.memref_slice %arg10[%dma_start3A_52, %dma_start3A_53] : memref<240x128xf32, #tpu.memory_space<vmem>> -> memref<80x128xf32, #tpu.memory_space<vmem>>
      %dma_start3A_55 = tpu.memref_slice %arg9[%dma_start3A_51, %multiple_of3A] : memref<3x1600xi32, #tpu.memory_space<vmem>> -> memref<1x80xi32, #tpu.memory_space<vmem>>
      %dma_start3A_56 = tpu.memref_squeeze %dma_start3A_55 : memref<1x80xi32, #tpu.memory_space<vmem>> -> memref<80xi32, #tpu.memory_space<vmem>>
      %dma_start3A_57 = arith.constant 0 : i32
      %dma_start3A_58 = arith.constant 0 : i32
      %dma_start3A_59 = tpu.memref_slice %arg4[%dma_start3A_57, %dma_start3A_58] : memref<300000x128xf32, #tpu.memory_space<hbm>> -> memref<300000x128xf32, #tpu.memory_space<hbm>>
      tpu.enqueue_indirect_dma source(%dma_start3A_59 : memref<300000x128xf32, #tpu.memory_space<hbm>>) target(%dma_start3A_54 : memref<80x128xf32, #tpu.memory_space<vmem>>) offsets(%dma_start3A_56 : memref<80xi32, #tpu.memory_space<vmem>>) semaphore(%arg13 : memref<!tpu.dma_semaphore, #tpu.memory_space<semaphore_mem>>)
      %scan3A_60 = arith.constant 0 : i32
      %scan3A_61 = arith.constant 0 : i32
      %scan3A_62 = arith.constant 5 : i32
      %scan3A_63 = arith.addi %scan3A_61, %scan3A_62 : i32
      %scan3A_64 = arith.constant 1 : i32
      scf.for %scan3A_98 = %scan3A_61 to %scan3A_63 step %scan3A_64  : i32 {
        %mul3A_99 = arith.constant 16 : i32
        %mul3A_100 = arith.muli %scan3A_98, %mul3A_99 : i32
        %add3A_101 = arith.addi %multiple_of3A, %mul3A_100 : i32
        %multiple_of3A_102 = tpu.assume_multiple %add3A_101, 8 : i32
        %get3A = arith.constant 0 : i32
        %get3A_103 = arith.index_cast %get3A : i32 to index
        %get3A_104 = arith.index_cast %multiple_of3A_102 : i32 to index
        %get3A_105 = tpu.vector_load %arg8[%get3A_103, %get3A_104] {strides = array<i32>} : memref<16x1600xi32, #tpu.memory_space<vmem>>, vector<16xi32>,
        %get3A_106 = arith.constant 1 : i32
        %get3A_107 = arith.index_cast %get3A_106 : i32 to index
        %get3A_108 = arith.index_cast %multiple_of3A_102 : i32 to index
        %get3A_109 = tpu.vector_load %arg8[%get3A_107, %get3A_108] {strides = array<i32>} : memref<16x1600xi32, #tpu.memory_space<vmem>>, vector<16xi32>,
        %get3A_110 = arith.constant 2 : i32
        %get3A_111 = arith.index_cast %get3A_110 : i32 to index
        %get3A_112 = arith.index_cast %multiple_of3A_102 : i32 to index
        %get3A_113 = tpu.vector_load %arg8[%get3A_111, %get3A_112] {strides = array<i32>} : memref<16x1600xi32, #tpu.memory_space<vmem>>, vector<16xi32>,
        %get3A_114 = arith.constant 3 : i32
        %get3A_115 = arith.index_cast %get3A_114 : i32 to index
        %get3A_116 = arith.index_cast %multiple_of3A_102 : i32 to index
        %get3A_117 = tpu.vector_load %arg8[%get3A_115, %get3A_116] {strides = array<i32>} : memref<16x1600xi32, #tpu.memory_space<vmem>>, vector<16xi32>,
        %get3A_118 = arith.constant 4 : i32
        %get3A_119 = arith.index_cast %get3A_118 : i32 to index
        %get3A_120 = arith.index_cast %multiple_of3A_102 : i32 to index
        %get3A_121 = tpu.vector_load %arg8[%get3A_119, %get3A_120] {strides = array<i32>} : memref<16x1600xi32, #tpu.memory_space<vmem>>, vector<16xi32>,
        %get3A_122 = arith.constant 5 : i32
        %get3A_123 = arith.index_cast %get3A_122 : i32 to index
        %get3A_124 = arith.index_cast %multiple_of3A_102 : i32 to index
        %get3A_125 = tpu.vector_load %arg8[%get3A_123, %get3A_124] {strides = array<i32>} : memref<16x1600xi32, #tpu.memory_space<vmem>>, vector<16xi32>,
        %get3A_126 = arith.constant 6 : i32
        %get3A_127 = arith.index_cast %get3A_126 : i32 to index
        %get3A_128 = arith.index_cast %multiple_of3A_102 : i32 to index
        %get3A_129 = tpu.vector_load %arg8[%get3A_127, %get3A_128] {strides = array<i32>} : memref<16x1600xi32, #tpu.memory_space<vmem>>, vector<16xi32>,
        %get3A_130 = arith.constant 7 : i32
        %get3A_131 = arith.index_cast %get3A_130 : i32 to index
        %get3A_132 = arith.index_cast %multiple_of3A_102 : i32 to index
        %get3A_133 = tpu.vector_load %arg8[%get3A_131, %get3A_132] {strides = array<i32>} : memref<16x1600xi32, #tpu.memory_space<vmem>>, vector<16xi32>,
        %get3A_134 = arith.constant 8 : i32
        %get3A_135 = arith.index_cast %get3A_134 : i32 to index
        %get3A_136 = arith.index_cast %multiple_of3A_102 : i32 to index
        %get3A_137 = tpu.vector_load %arg8[%get3A_135, %get3A_136] {strides = array<i32>} : memref<16x1600xi32, #tpu.memory_space<vmem>>, vector<16xi32>,
        %get3A_138 = arith.constant 9 : i32
        %get3A_139 = arith.index_cast %get3A_138 : i32 to index
        %get3A_140 = arith.index_cast %multiple_of3A_102 : i32 to index
        %get3A_141 = tpu.vector_load %arg8[%get3A_139, %get3A_140] {strides = array<i32>} : memref<16x1600xi32, #tpu.memory_space<vmem>>, vector<16xi32>,
        %get3A_142 = arith.constant 10 : i32
        %get3A_143 = arith.index_cast %get3A_142 : i32 to index
        %get3A_144 = arith.index_cast %multiple_of3A_102 : i32 to index
        %get3A_145 = tpu.vector_load %arg8[%get3A_143, %get3A_144] {strides = array<i32>} : memref<16x1600xi32, #tpu.memory_space<vmem>>, vector<16xi32>,
        %get3A_146 = arith.constant 11 : i32
        %get3A_147 = arith.index_cast %get3A_146 : i32 to index
        %get3A_148 = arith.index_cast %multiple_of3A_102 : i32 to index
        %get3A_149 = tpu.vector_load %arg8[%get3A_147, %get3A_148] {strides = array<i32>} : memref<16x1600xi32, #tpu.memory_space<vmem>>, vector<16xi32>,
        %get3A_150 = arith.constant 12 : i32
        %get3A_151 = arith.index_cast %get3A_150 : i32 to index
        %get3A_152 = arith.index_cast %multiple_of3A_102 : i32 to index
        %get3A_153 = tpu.vector_load %arg8[%get3A_151, %get3A_152] {strides = array<i32>} : memref<16x1600xi32, #tpu.memory_space<vmem>>, vector<16xi32>,
        %get3A_154 = arith.constant 13 : i32
        %get3A_155 = arith.index_cast %get3A_154 : i32 to index
        %get3A_156 = arith.index_cast %multiple_of3A_102 : i32 to index
        %get3A_157 = tpu.vector_load %arg8[%get3A_155, %get3A_156] {strides = array<i32>} : memref<16x1600xi32, #tpu.memory_space<vmem>>, vector<16xi32>,
        %get3A_158 = arith.constant 14 : i32
        %get3A_159 = arith.index_cast %get3A_158 : i32 to index
        %get3A_160 = arith.index_cast %multiple_of3A_102 : i32 to index
        %get3A_161 = tpu.vector_load %arg8[%get3A_159, %get3A_160] {strides = array<i32>} : memref<16x1600xi32, #tpu.memory_space<vmem>>, vector<16xi32>,
        %get3A_162 = arith.constant 15 : i32
        %get3A_163 = arith.index_cast %get3A_162 : i32 to index
        %get3A_164 = arith.index_cast %multiple_of3A_102 : i32 to index
        %get3A_165 = tpu.vector_load %arg8[%get3A_163, %get3A_164] {strides = array<i32>} : memref<16x1600xi32, #tpu.memory_space<vmem>>, vector<16xi32>,
        %mul3A_166 = arith.constant 16 : i32
        %mul3A_167 = arith.muli %scan3A_98, %mul3A_166 : i32
        %add3A_168 = vector.broadcast %mul3A_167 : i32 to vector<16xi32>
        %add3A_169 = arith.addi %iota3A, %add3A_168 : vector<16xi32>
        %scan3A_170 = arith.constant 0 : i32
        %scan3A_171 = arith.constant 64 : i32
        %scan3A_172 = arith.addi %scan3A_170, %scan3A_171 : i32
        %scan3A_173 = arith.constant 2 : i32
        scf.for %scan3A_175 = %scan3A_170 to %scan3A_172 step %scan3A_173  : i32 {
          %broadcast_in_dim3A_176 = vector.broadcast %scan3A_175 : i32 to vector<16xi32>
          %gather3A = tpu.vector_load_idx %arg12[%get3A_105, %broadcast_in_dim3A_176] : memref<128x64xf32, #tpu.memory_space<vmem>>[vector<16xi32>, vector<16xi32>], vector<16xf32>,
          %gather3A_177 = tpu.vector_load_idx %arg12[%get3A_109, %broadcast_in_dim3A_176] : memref<128x64xf32, #tpu.memory_space<vmem>>[vector<16xi32>, vector<16xi32>], vector<16xf32>,
          %max3A = arith.maximumf %gather3A, %gather3A_177 : vector<16xf32>
          %gather3A_178 = tpu.vector_load_idx %arg12[%get3A_113, %broadcast_in_dim3A_176] : memref<128x64xf32, #tpu.memory_space<vmem>>[vector<16xi32>, vector<16xi32>], vector<16xf32>,
          %max3A_179 = arith.maximumf %max3A, %gather3A_178 : vector<16xf32>
          %gather3A_180 = tpu.vector_load_idx %arg12[%get3A_117, %broadcast_in_dim3A_176] : memref<128x64xf32, #tpu.memory_space<vmem>>[vector<16xi32>, vector<16xi32>], vector<16xf32>,
          %max3A_181 = arith.maximumf %max3A_179, %gather3A_180 : vector<16xf32>
          %gather3A_182 = tpu.vector_load_idx %arg12[%get3A_121, %broadcast_in_dim3A_176] : memref<128x64xf32, #tpu.memory_space<vmem>>[vector<16xi32>, vector<16xi32>], vector<16xf32>,
          %max3A_183 = arith.maximumf %max3A_181, %gather3A_182 : vector<16xf32>
          %gather3A_184 = tpu.vector_load_idx %arg12[%get3A_125, %broadcast_in_dim3A_176] : memref<128x64xf32, #tpu.memory_space<vmem>>[vector<16xi32>, vector<16xi32>], vector<16xf32>,
          %max3A_185 = arith.maximumf %max3A_183, %gather3A_184 : vector<16xf32>
          %gather3A_186 = tpu.vector_load_idx %arg12[%get3A_129, %broadcast_in_dim3A_176] : memref<128x64xf32, #tpu.memory_space<vmem>>[vector<16xi32>, vector<16xi32>], vector<16xf32>,
          %max3A_187 = arith.maximumf %max3A_185, %gather3A_186 : vector<16xf32>
          %gather3A_188 = tpu.vector_load_idx %arg12[%get3A_133, %broadcast_in_dim3A_176] : memref<128x64xf32, #tpu.memory_space<vmem>>[vector<16xi32>, vector<16xi32>], vector<16xf32>,
          %max3A_189 = arith.maximumf %max3A_187, %gather3A_188 : vector<16xf32>
          %gather3A_190 = tpu.vector_load_idx %arg12[%get3A_137, %broadcast_in_dim3A_176] : memref<128x64xf32, #tpu.memory_space<vmem>>[vector<16xi32>, vector<16xi32>], vector<16xf32>,
          %max3A_191 = arith.maximumf %max3A_189, %gather3A_190 : vector<16xf32>
          %gather3A_192 = tpu.vector_load_idx %arg12[%get3A_141, %broadcast_in_dim3A_176] : memref<128x64xf32, #tpu.memory_space<vmem>>[vector<16xi32>, vector<16xi32>], vector<16xf32>,
          %max3A_193 = arith.maximumf %max3A_191, %gather3A_192 : vector<16xf32>
          %gather3A_194 = tpu.vector_load_idx %arg12[%get3A_145, %broadcast_in_dim3A_176] : memref<128x64xf32, #tpu.memory_space<vmem>>[vector<16xi32>, vector<16xi32>], vector<16xf32>,
          %max3A_195 = arith.maximumf %max3A_193, %gather3A_194 : vector<16xf32>
          %gather3A_196 = tpu.vector_load_idx %arg12[%get3A_149, %broadcast_in_dim3A_176] : memref<128x64xf32, #tpu.memory_space<vmem>>[vector<16xi32>, vector<16xi32>], vector<16xf32>,
          %max3A_197 = arith.maximumf %max3A_195, %gather3A_196 : vector<16xf32>
          %gather3A_198 = tpu.vector_load_idx %arg12[%get3A_153, %broadcast_in_dim3A_176] : memref<128x64xf32, #tpu.memory_space<vmem>>[vector<16xi32>, vector<16xi32>], vector<16xf32>,
          %max3A_199 = arith.maximumf %max3A_197, %gather3A_198 : vector<16xf32>
          %gather3A_200 = tpu.vector_load_idx %arg12[%get3A_157, %broadcast_in_dim3A_176] : memref<128x64xf32, #tpu.memory_space<vmem>>[vector<16xi32>, vector<16xi32>], vector<16xf32>,
          %max3A_201 = arith.maximumf %max3A_199, %gather3A_200 : vector<16xf32>
          %gather3A_202 = tpu.vector_load_idx %arg12[%get3A_161, %broadcast_in_dim3A_176] : memref<128x64xf32, #tpu.memory_space<vmem>>[vector<16xi32>, vector<16xi32>], vector<16xf32>,
          %max3A_203 = arith.maximumf %max3A_201, %gather3A_202 : vector<16xf32>
          %gather3A_204 = tpu.vector_load_idx %arg12[%get3A_165, %broadcast_in_dim3A_176] : memref<128x64xf32, #tpu.memory_space<vmem>>[vector<16xi32>, vector<16xi32>], vector<16xf32>,
          %max3A_205 = arith.maximumf %max3A_203, %gather3A_204 : vector<16xf32>
          %add3A_206 = arith.constant 300 : i32
          %add3A_207 = vector.broadcast %add3A_206 : i32 to vector<16xi32>
          %add3A_208 = arith.addi %broadcast_in_dim3A_176, %add3A_207 : vector<16xi32>
          tpu.vector_store_idx %arg11[%add3A_169, %add3A_208], %max3A_205 : memref<80x364xf32, #tpu.memory_space<vmem>>[vector<16xi32>, vector<16xi32>], vector<16xf32>,
          %scan3A_209 = arith.constant 1 : i32
          %scan3A_210 = arith.addi %scan3A_175, %scan3A_209 : i32
          %broadcast_in_dim3A_211 = vector.broadcast %scan3A_210 : i32 to vector<16xi32>
          %gather3A_212 = tpu.vector_load_idx %arg12[%get3A_105, %broadcast_in_dim3A_211] : memref<128x64xf32, #tpu.memory_space<vmem>>[vector<16xi32>, vector<16xi32>], vector<16xf32>,
          %gather3A_213 = tpu.vector_load_idx %arg12[%get3A_109, %broadcast_in_dim3A_211] : memref<128x64xf32, #tpu.memory_space<vmem>>[vector<16xi32>, vector<16xi32>], vector<16xf32>,
          %max3A_214 = arith.maximumf %gather3A_212, %gather3A_213 : vector<16xf32>
          %gather3A_215 = tpu.vector_load_idx %arg12[%get3A_113, %broadcast_in_dim3A_211] : memref<128x64xf32, #tpu.memory_space<vmem>>[vector<16xi32>, vector<16xi32>], vector<16xf32>,
          %max3A_216 = arith.maximumf %max3A_214, %gather3A_215 : vector<16xf32>
          %gather3A_217 = tpu.vector_load_idx %arg12[%get3A_117, %broadcast_in_dim3A_211] : memref<128x64xf32, #tpu.memory_space<vmem>>[vector<16xi32>, vector<16xi32>], vector<16xf32>,
          %max3A_218 = arith.maximumf %max3A_216, %gather3A_217 : vector<16xf32>
          %gather3A_219 = tpu.vector_load_idx %arg12[%get3A_121, %broadcast_in_dim3A_211] : memref<128x64xf32, #tpu.memory_space<vmem>>[vector<16xi32>, vector<16xi32>], vector<16xf32>,
          %max3A_220 = arith.maximumf %max3A_218, %gather3A_219 : vector<16xf32>
          %gather3A_221 = tpu.vector_load_idx %arg12[%get3A_125, %broadcast_in_dim3A_211] : memref<128x64xf32, #tpu.memory_space<vmem>>[vector<16xi32>, vector<16xi32>], vector<16xf32>,
          %max3A_222 = arith.maximumf %max3A_220, %gather3A_221 : vector<16xf32>
          %gather3A_223 = tpu.vector_load_idx %arg12[%get3A_129, %broadcast_in_dim3A_211] : memref<128x64xf32, #tpu.memory_space<vmem>>[vector<16xi32>, vector<16xi32>], vector<16xf32>,
          %max3A_224 = arith.maximumf %max3A_222, %gather3A_223 : vector<16xf32>
          %gather3A_225 = tpu.vector_load_idx %arg12[%get3A_133, %broadcast_in_dim3A_211] : memref<128x64xf32, #tpu.memory_space<vmem>>[vector<16xi32>, vector<16xi32>], vector<16xf32>,
          %max3A_226 = arith.maximumf %max3A_224, %gather3A_225 : vector<16xf32>
          %gather3A_227 = tpu.vector_load_idx %arg12[%get3A_137, %broadcast_in_dim3A_211] : memref<128x64xf32, #tpu.memory_space<vmem>>[vector<16xi32>, vector<16xi32>], vector<16xf32>,
          %max3A_228 = arith.maximumf %max3A_226, %gather3A_227 : vector<16xf32>
          %gather3A_229 = tpu.vector_load_idx %arg12[%get3A_141, %broadcast_in_dim3A_211] : memref<128x64xf32, #tpu.memory_space<vmem>>[vector<16xi32>, vector<16xi32>], vector<16xf32>,
          %max3A_230 = arith.maximumf %max3A_228, %gather3A_229 : vector<16xf32>
          %gather3A_231 = tpu.vector_load_idx %arg12[%get3A_145, %broadcast_in_dim3A_211] : memref<128x64xf32, #tpu.memory_space<vmem>>[vector<16xi32>, vector<16xi32>], vector<16xf32>,
          %max3A_232 = arith.maximumf %max3A_230, %gather3A_231 : vector<16xf32>
          %gather3A_233 = tpu.vector_load_idx %arg12[%get3A_149, %broadcast_in_dim3A_211] : memref<128x64xf32, #tpu.memory_space<vmem>>[vector<16xi32>, vector<16xi32>], vector<16xf32>,
          %max3A_234 = arith.maximumf %max3A_232, %gather3A_233 : vector<16xf32>
          %gather3A_235 = tpu.vector_load_idx %arg12[%get3A_153, %broadcast_in_dim3A_211] : memref<128x64xf32, #tpu.memory_space<vmem>>[vector<16xi32>, vector<16xi32>], vector<16xf32>,
          %max3A_236 = arith.maximumf %max3A_234, %gather3A_235 : vector<16xf32>
          %gather3A_237 = tpu.vector_load_idx %arg12[%get3A_157, %broadcast_in_dim3A_211] : memref<128x64xf32, #tpu.memory_space<vmem>>[vector<16xi32>, vector<16xi32>], vector<16xf32>,
          %max3A_238 = arith.maximumf %max3A_236, %gather3A_237 : vector<16xf32>
          %gather3A_239 = tpu.vector_load_idx %arg12[%get3A_161, %broadcast_in_dim3A_211] : memref<128x64xf32, #tpu.memory_space<vmem>>[vector<16xi32>, vector<16xi32>], vector<16xf32>,
          %max3A_240 = arith.maximumf %max3A_238, %gather3A_239 : vector<16xf32>
          %gather3A_241 = tpu.vector_load_idx %arg12[%get3A_165, %broadcast_in_dim3A_211] : memref<128x64xf32, #tpu.memory_space<vmem>>[vector<16xi32>, vector<16xi32>], vector<16xf32>,
          %max3A_242 = arith.maximumf %max3A_240, %gather3A_241 : vector<16xf32>
          %add3A_243 = arith.constant 300 : i32
          %add3A_244 = vector.broadcast %add3A_243 : i32 to vector<16xi32>
          %add3A_245 = arith.addi %broadcast_in_dim3A_211, %add3A_244 : vector<16xi32>
          tpu.vector_store_idx %arg11[%add3A_169, %add3A_245], %max3A_242 : memref<80x364xf32, #tpu.memory_space<vmem>>[vector<16xi32>, vector<16xi32>], vector<16xf32>,
        }
        %scan3A_174 = arith.constant 64 : i32
      }
      %scan3A_65 = arith.constant 5 : i32
      %dma_wait3A = arith.constant 0 : i32
      %dma_wait3A_66 = arith.constant 0 : i32
      %dma_wait3A_67 = arith.constant 0 : i32
      %dma_wait3A_68 = tpu.memref_slice %arg10[%dma_wait3A_66, %dma_wait3A_67] : memref<240x128xf32, #tpu.memory_space<vmem>> -> memref<80x128xf32, #tpu.memory_space<vmem>>
      %dma_wait3A_69 = tpu.memref_slice %arg9[%dma_wait3A, %multiple_of3A] : memref<3x1600xi32, #tpu.memory_space<vmem>> -> memref<1x80xi32, #tpu.memory_space<vmem>>
      %dma_wait3A_70 = tpu.memref_squeeze %dma_wait3A_69 : memref<1x80xi32, #tpu.memory_space<vmem>> -> memref<80xi32, #tpu.memory_space<vmem>>
      %dma_wait3A_71 = arith.constant 0 : i32
      %dma_wait3A_72 = arith.constant 0 : i32
      %dma_wait3A_73 = tpu.memref_slice %arg4[%dma_wait3A_71, %dma_wait3A_72] : memref<300000x128xf32, #tpu.memory_space<hbm>> -> memref<300000x128xf32, #tpu.memory_space<hbm>>
      tpu.wait_indirect_dma semaphore(%arg13 : memref<!tpu.dma_semaphore, #tpu.memory_space<semaphore_mem>>) src(%dma_wait3A_73 : memref<300000x128xf32, #tpu.memory_space<hbm>>) dst(%dma_wait3A_68 : memref<80x128xf32, #tpu.memory_space<vmem>>)
      %dma_wait3A_74 = arith.constant 1 : i32
      %dma_wait3A_75 = arith.constant 80 : i32
      %dma_wait3A_76 = arith.constant 0 : i32
      %dma_wait3A_77 = tpu.memref_slice %arg10[%dma_wait3A_75, %dma_wait3A_76] : memref<240x128xf32, #tpu.memory_space<vmem>> -> memref<80x128xf32, #tpu.memory_space<vmem>>
      %dma_wait3A_78 = tpu.memref_slice %arg9[%dma_wait3A_74, %multiple_of3A] : memref<3x1600xi32, #tpu.memory_space<vmem>> -> memref<1x80xi32, #tpu.memory_space<vmem>>
      %dma_wait3A_79 = tpu.memref_squeeze %dma_wait3A_78 : memref<1x80xi32, #tpu.memory_space<vmem>> -> memref<80xi32, #tpu.memory_space<vmem>>
      %dma_wait3A_80 = arith.constant 0 : i32
      %dma_wait3A_81 = arith.constant 0 : i32
      %dma_wait3A_82 = tpu.memref_slice %arg4[%dma_wait3A_80, %dma_wait3A_81] : memref<300000x128xf32, #tpu.memory_space<hbm>> -> memref<300000x128xf32, #tpu.memory_space<hbm>>
      tpu.wait_indirect_dma semaphore(%arg13 : memref<!tpu.dma_semaphore, #tpu.memory_space<semaphore_mem>>) src(%dma_wait3A_82 : memref<300000x128xf32, #tpu.memory_space<hbm>>) dst(%dma_wait3A_77 : memref<80x128xf32, #tpu.memory_space<vmem>>)
      %dma_wait3A_83 = arith.constant 2 : i32
      %dma_wait3A_84 = arith.constant 160 : i32
      %dma_wait3A_85 = arith.constant 0 : i32
      %dma_wait3A_86 = tpu.memref_slice %arg10[%dma_wait3A_84, %dma_wait3A_85] : memref<240x128xf32, #tpu.memory_space<vmem>> -> memref<80x128xf32, #tpu.memory_space<vmem>>
      %dma_wait3A_87 = tpu.memref_slice %arg9[%dma_wait3A_83, %multiple_of3A] : memref<3x1600xi32, #tpu.memory_space<vmem>> -> memref<1x80xi32, #tpu.memory_space<vmem>>
      %dma_wait3A_88 = tpu.memref_squeeze %dma_wait3A_87 : memref<1x80xi32, #tpu.memory_space<vmem>> -> memref<80xi32, #tpu.memory_space<vmem>>
      %dma_wait3A_89 = arith.constant 0 : i32
      %dma_wait3A_90 = arith.constant 0 : i32
      %dma_wait3A_91 = tpu.memref_slice %arg4[%dma_wait3A_89, %dma_wait3A_90] : memref<300000x128xf32, #tpu.memory_space<hbm>> -> memref<300000x128xf32, #tpu.memory_space<hbm>>
      tpu.wait_indirect_dma semaphore(%arg13 : memref<!tpu.dma_semaphore, #tpu.memory_space<semaphore_mem>>) src(%dma_wait3A_91 : memref<300000x128xf32, #tpu.memory_space<hbm>>) dst(%dma_wait3A_86 : memref<80x128xf32, #tpu.memory_space<vmem>>)
      %scan3A_92 = arith.constant 0 : i32
      %scan3A_93 = arith.constant 0 : i32
      %scan3A_94 = arith.constant 5 : i32
      %scan3A_95 = arith.addi %scan3A_93, %scan3A_94 : i32
      %scan3A_96 = arith.constant 1 : i32
      scf.for %scan3A_98 = %scan3A_93 to %scan3A_95 step %scan3A_96  : i32 {
        %mul3A_99 = arith.constant 16 : i32
        %mul3A_100 = arith.muli %scan3A_98, %mul3A_99 : i32
        %add3A_101 = vector.broadcast %mul3A_100 : i32 to vector<16xi32>
        %add3A_102 = arith.addi %iota3A, %add3A_101 : vector<16xi32>
        %add3A_103 = arith.constant 0 : i32
        %add3A_104 = vector.broadcast %add3A_103 : i32 to vector<16xi32>
        %add3A_105 = arith.addi %add3A_102, %add3A_104 : vector<16xi32>
        %scan3A_106 = arith.constant 0 : i32
        %scan3A_107 = arith.constant 128 : i32
        %scan3A_108 = arith.addi %scan3A_106, %scan3A_107 : i32
        %scan3A_109 = arith.constant 4 : i32
        scf.for %scan3A_127 = %scan3A_106 to %scan3A_108 step %scan3A_109  : i32 {
          %broadcast_in_dim3A_128 = vector.broadcast %scan3A_127 : i32 to vector<16xi32>
          %gather3A = tpu.vector_load_idx %arg10[%add3A_105, %broadcast_in_dim3A_128] : memref<240x128xf32, #tpu.memory_space<vmem>>[vector<16xi32>, vector<16xi32>], vector<16xf32>,
          %add3A_129 = arith.constant 0 : i32
          %add3A_130 = vector.broadcast %add3A_129 : i32 to vector<16xi32>
          %add3A_131 = arith.addi %broadcast_in_dim3A_128, %add3A_130 : vector<16xi32>
          tpu.vector_store_idx %arg11[%add3A_102, %add3A_131], %gather3A : memref<80x364xf32, #tpu.memory_space<vmem>>[vector<16xi32>, vector<16xi32>], vector<16xf32>,
          %scan3A_132 = arith.constant 1 : i32
          %scan3A_133 = arith.addi %scan3A_127, %scan3A_132 : i32
          %broadcast_in_dim3A_134 = vector.broadcast %scan3A_133 : i32 to vector<16xi32>
          %gather3A_135 = tpu.vector_load_idx %arg10[%add3A_105, %broadcast_in_dim3A_134] : memref<240x128xf32, #tpu.memory_space<vmem>>[vector<16xi32>, vector<16xi32>], vector<16xf32>,
          %add3A_136 = arith.constant 0 : i32
          %add3A_137 = vector.broadcast %add3A_136 : i32 to vector<16xi32>
          %add3A_138 = arith.addi %broadcast_in_dim3A_134, %add3A_137 : vector<16xi32>
          tpu.vector_store_idx %arg11[%add3A_102, %add3A_138], %gather3A_135 : memref<80x364xf32, #tpu.memory_space<vmem>>[vector<16xi32>, vector<16xi32>], vector<16xf32>,
          %scan3A_139 = arith.constant 2 : i32
          %scan3A_140 = arith.addi %scan3A_127, %scan3A_139 : i32
          %broadcast_in_dim3A_141 = vector.broadcast %scan3A_140 : i32 to vector<16xi32>
          %gather3A_142 = tpu.vector_load_idx %arg10[%add3A_105, %broadcast_in_dim3A_141] : memref<240x128xf32, #tpu.memory_space<vmem>>[vector<16xi32>, vector<16xi32>], vector<16xf32>,
          %add3A_143 = arith.constant 0 : i32
          %add3A_144 = vector.broadcast %add3A_143 : i32 to vector<16xi32>
          %add3A_145 = arith.addi %broadcast_in_dim3A_141, %add3A_144 : vector<16xi32>
          tpu.vector_store_idx %arg11[%add3A_102, %add3A_145], %gather3A_142 : memref<80x364xf32, #tpu.memory_space<vmem>>[vector<16xi32>, vector<16xi32>], vector<16xf32>,
          %scan3A_146 = arith.constant 3 : i32
          %scan3A_147 = arith.addi %scan3A_127, %scan3A_146 : i32
          %broadcast_in_dim3A_148 = vector.broadcast %scan3A_147 : i32 to vector<16xi32>
          %gather3A_149 = tpu.vector_load_idx %arg10[%add3A_105, %broadcast_in_dim3A_148] : memref<240x128xf32, #tpu.memory_space<vmem>>[vector<16xi32>, vector<16xi32>], vector<16xf32>,
          %add3A_150 = arith.constant 0 : i32
          %add3A_151 = vector.broadcast %add3A_150 : i32 to vector<16xi32>
          %add3A_152 = arith.addi %broadcast_in_dim3A_148, %add3A_151 : vector<16xi32>
          tpu.vector_store_idx %arg11[%add3A_102, %add3A_152], %gather3A_149 : memref<80x364xf32, #tpu.memory_space<vmem>>[vector<16xi32>, vector<16xi32>], vector<16xf32>,
        }
        %scan3A_110 = arith.constant 128 : i32
        %add3A_111 = arith.constant 80 : i32
        %add3A_112 = vector.broadcast %add3A_111 : i32 to vector<16xi32>
        %add3A_113 = arith.addi %add3A_102, %add3A_112 : vector<16xi32>
        %scan3A_114 = arith.constant 0 : i32
        %scan3A_115 = arith.constant 128 : i32
        %scan3A_116 = arith.addi %scan3A_114, %scan3A_115 : i32
        %scan3A_117 = arith.constant 4 : i32
        scf.for %scan3A_127 = %scan3A_114 to %scan3A_116 step %scan3A_117  : i32 {
          %broadcast_in_dim3A_128 = vector.broadcast %scan3A_127 : i32 to vector<16xi32>
          %gather3A = tpu.vector_load_idx %arg10[%add3A_113, %broadcast_in_dim3A_128] : memref<240x128xf32, #tpu.memory_space<vmem>>[vector<16xi32>, vector<16xi32>], vector<16xf32>,
          %add3A_129 = arith.constant 128 : i32
          %add3A_130 = vector.broadcast %add3A_129 : i32 to vector<16xi32>
          %add3A_131 = arith.addi %broadcast_in_dim3A_128, %add3A_130 : vector<16xi32>
          tpu.vector_store_idx %arg11[%add3A_102, %add3A_131], %gather3A : memref<80x364xf32, #tpu.memory_space<vmem>>[vector<16xi32>, vector<16xi32>], vector<16xf32>,
          %scan3A_132 = arith.constant 1 : i32
          %scan3A_133 = arith.addi %scan3A_127, %scan3A_132 : i32
          %broadcast_in_dim3A_134 = vector.broadcast %scan3A_133 : i32 to vector<16xi32>
          %gather3A_135 = tpu.vector_load_idx %arg10[%add3A_113, %broadcast_in_dim3A_134] : memref<240x128xf32, #tpu.memory_space<vmem>>[vector<16xi32>, vector<16xi32>], vector<16xf32>,
          %add3A_136 = arith.constant 128 : i32
          %add3A_137 = vector.broadcast %add3A_136 : i32 to vector<16xi32>
          %add3A_138 = arith.addi %broadcast_in_dim3A_134, %add3A_137 : vector<16xi32>
          tpu.vector_store_idx %arg11[%add3A_102, %add3A_138], %gather3A_135 : memref<80x364xf32, #tpu.memory_space<vmem>>[vector<16xi32>, vector<16xi32>], vector<16xf32>,
          %scan3A_139 = arith.constant 2 : i32
          %scan3A_140 = arith.addi %scan3A_127, %scan3A_139 : i32
          %broadcast_in_dim3A_141 = vector.broadcast %scan3A_140 : i32 to vector<16xi32>
          %gather3A_142 = tpu.vector_load_idx %arg10[%add3A_113, %broadcast_in_dim3A_141] : memref<240x128xf32, #tpu.memory_space<vmem>>[vector<16xi32>, vector<16xi32>], vector<16xf32>,
          %add3A_143 = arith.constant 128 : i32
          %add3A_144 = vector.broadcast %add3A_143 : i32 to vector<16xi32>
          %add3A_145 = arith.addi %broadcast_in_dim3A_141, %add3A_144 : vector<16xi32>
          tpu.vector_store_idx %arg11[%add3A_102, %add3A_145], %gather3A_142 : memref<80x364xf32, #tpu.memory_space<vmem>>[vector<16xi32>, vector<16xi32>], vector<16xf32>,
          %scan3A_146 = arith.constant 3 : i32
          %scan3A_147 = arith.addi %scan3A_127, %scan3A_146 : i32
          %broadcast_in_dim3A_148 = vector.broadcast %scan3A_147 : i32 to vector<16xi32>
          %gather3A_149 = tpu.vector_load_idx %arg10[%add3A_113, %broadcast_in_dim3A_148] : memref<240x128xf32, #tpu.memory_space<vmem>>[vector<16xi32>, vector<16xi32>], vector<16xf32>,
          %add3A_150 = arith.constant 128 : i32
          %add3A_151 = vector.broadcast %add3A_150 : i32 to vector<16xi32>
          %add3A_152 = arith.addi %broadcast_in_dim3A_148, %add3A_151 : vector<16xi32>
          tpu.vector_store_idx %arg11[%add3A_102, %add3A_152], %gather3A_149 : memref<80x364xf32, #tpu.memory_space<vmem>>[vector<16xi32>, vector<16xi32>], vector<16xf32>,
        }
        %scan3A_118 = arith.constant 128 : i32
        %add3A_119 = arith.constant 160 : i32
        %add3A_120 = vector.broadcast %add3A_119 : i32 to vector<16xi32>
        %add3A_121 = arith.addi %add3A_102, %add3A_120 : vector<16xi32>
        %scan3A_122 = arith.constant 0 : i32
        %scan3A_123 = arith.constant 44 : i32
        %scan3A_124 = arith.addi %scan3A_122, %scan3A_123 : i32
        %scan3A_125 = arith.constant 4 : i32
        scf.for %scan3A_127 = %scan3A_122 to %scan3A_124 step %scan3A_125  : i32 {
          %broadcast_in_dim3A_128 = vector.broadcast %scan3A_127 : i32 to vector<16xi32>
          %gather3A = tpu.vector_load_idx %arg10[%add3A_121, %broadcast_in_dim3A_128] : memref<240x128xf32, #tpu.memory_space<vmem>>[vector<16xi32>, vector<16xi32>], vector<16xf32>,
          %add3A_129 = arith.constant 256 : i32
          %add3A_130 = vector.broadcast %add3A_129 : i32 to vector<16xi32>
          %add3A_131 = arith.addi %broadcast_in_dim3A_128, %add3A_130 : vector<16xi32>
          tpu.vector_store_idx %arg11[%add3A_102, %add3A_131], %gather3A : memref<80x364xf32, #tpu.memory_space<vmem>>[vector<16xi32>, vector<16xi32>], vector<16xf32>,
          %scan3A_132 = arith.constant 1 : i32
          %scan3A_133 = arith.addi %scan3A_127, %scan3A_132 : i32
          %broadcast_in_dim3A_134 = vector.broadcast %scan3A_133 : i32 to vector<16xi32>
          %gather3A_135 = tpu.vector_load_idx %arg10[%add3A_121, %broadcast_in_dim3A_134] : memref<240x128xf32, #tpu.memory_space<vmem>>[vector<16xi32>, vector<16xi32>], vector<16xf32>,
          %add3A_136 = arith.constant 256 : i32
          %add3A_137 = vector.broadcast %add3A_136 : i32 to vector<16xi32>
          %add3A_138 = arith.addi %broadcast_in_dim3A_134, %add3A_137 : vector<16xi32>
          tpu.vector_store_idx %arg11[%add3A_102, %add3A_138], %gather3A_135 : memref<80x364xf32, #tpu.memory_space<vmem>>[vector<16xi32>, vector<16xi32>], vector<16xf32>,
          %scan3A_139 = arith.constant 2 : i32
          %scan3A_140 = arith.addi %scan3A_127, %scan3A_139 : i32
          %broadcast_in_dim3A_141 = vector.broadcast %scan3A_140 : i32 to vector<16xi32>
          %gather3A_142 = tpu.vector_load_idx %arg10[%add3A_121, %broadcast_in_dim3A_141] : memref<240x128xf32, #tpu.memory_space<vmem>>[vector<16xi32>, vector<16xi32>], vector<16xf32>,
          %add3A_143 = arith.constant 256 : i32
          %add3A_144 = vector.broadcast %add3A_143 : i32 to vector<16xi32>
          %add3A_145 = arith.addi %broadcast_in_dim3A_141, %add3A_144 : vector<16xi32>
          tpu.vector_store_idx %arg11[%add3A_102, %add3A_145], %gather3A_142 : memref<80x364xf32, #tpu.memory_space<vmem>>[vector<16xi32>, vector<16xi32>], vector<16xf32>,
          %scan3A_146 = arith.constant 3 : i32
          %scan3A_147 = arith.addi %scan3A_127, %scan3A_146 : i32
          %broadcast_in_dim3A_148 = vector.broadcast %scan3A_147 : i32 to vector<16xi32>
          %gather3A_149 = tpu.vector_load_idx %arg10[%add3A_121, %broadcast_in_dim3A_148] : memref<240x128xf32, #tpu.memory_space<vmem>>[vector<16xi32>, vector<16xi32>], vector<16xf32>,
          %add3A_150 = arith.constant 256 : i32
          %add3A_151 = vector.broadcast %add3A_150 : i32 to vector<16xi32>
          %add3A_152 = arith.addi %broadcast_in_dim3A_148, %add3A_151 : vector<16xi32>
          tpu.vector_store_idx %arg11[%add3A_102, %add3A_152], %gather3A_149 : memref<80x364xf32, #tpu.memory_space<vmem>>[vector<16xi32>, vector<16xi32>], vector<16xf32>,
        }
        %scan3A_126 = arith.constant 44 : i32
      }
      %scan3A_97 = arith.constant 5 : i32
      "tpu.region"() ({
        %run_scoped3A = tpu.sem_alloc : memref<!tpu.dma_semaphore, #tpu.memory_space<semaphore_mem>>
        %dma_start3A_98 = arith.constant 0 : i32
        %dma_start3A_99 = tpu.memref_slice %arg6[%add3A_33, %dma_start3A_98] : memref<51200x364xf32, #tpu.memory_space<hbm>> -> memref<80x364xf32, #tpu.memory_space<hbm>>
        %dma_start3A_100 = arith.constant 0 : i32
        %dma_start3A_101 = tpu.memref_slice %arg6[%add3A_33, %dma_start3A_100] : memref<51200x364xf32, #tpu.memory_space<hbm>> -> memref<80x364xf32, #tpu.memory_space<hbm>>
        tpu.enqueue_dma source(%arg11 : memref<80x364xf32, #tpu.memory_space<vmem>>) target(%dma_start3A_101 : memref<80x364xf32, #tpu.memory_space<hbm>>) target_semaphore(%run_scoped3A : memref<!tpu.dma_semaphore, #tpu.memory_space<semaphore_mem>>)
        %dma_wait3A_102 = arith.constant 0 : i32
        %dma_wait3A_103 = tpu.memref_slice %arg6[%add3A_33, %dma_wait3A_102] : memref<51200x364xf32, #tpu.memory_space<hbm>> -> memref<80x364xf32, #tpu.memory_space<hbm>>
        %dma_wait3A_104 = arith.constant 0 : i32
        %dma_wait3A_105 = tpu.memref_slice %arg6[%add3A_33, %dma_wait3A_104] : memref<51200x364xf32, #tpu.memory_space<hbm>> -> memref<80x364xf32, #tpu.memory_space<hbm>>
        tpu.wait_dma2 semaphore(%run_scoped3A : memref<!tpu.dma_semaphore, #tpu.memory_space<semaphore_mem>>) src(%arg11 : memref<80x364xf32, #tpu.memory_space<vmem>>) dst(%dma_wait3A_105 : memref<80x364xf32, #tpu.memory_space<hbm>>)
        tpu.yield
      }) : () -> ()
    }
    %scan3A_29 = arith.constant 20 : i32
    return
  }
}

</mosaic_0001>

<sc_bundles>
// kernel: kernel.3.cloned.1.call-start
scs
__scs_entry_jumppad:
0x0: {  	(pc) =	sbr.rel $0x88, $3  }
0x1: {  	(tag) =	ssettag $0x0;
	lr =	simm.s32 $0x1  }
0x2: {  	[smem:$0x3F9D] =	sst lr;
	_ =	strace $0xD0000000  }
0x3: {  	_ = 	snop  }
0x4: {  	_ = 	snop  }
0x5: {  	_ = 	snop  }
0x6: {  	_ = 	snop  }
0x7: {  	_ = 	snop  }
__scs_overlays_trampoline_lowered:
0x8: {  	[smem:$0x3FAC] =	sst s0  }
0x9: {  	[smem:$0x3FAD] =	sst s1  }
0xa: {  	[smem:$0x3FAE] =	sst s2  }
0xb: {  	[smem:$0x3FAF] =	sst s3  }
0xc: {  	[smem:$0x3FB0] =	sst s4  }
0xd: {  	[smem:$0x3FB1] =	sst s5  }
0xe: {  	[smem:$0x3FB2] =	sst s6  }
0xf: {  	[smem:$0x3FB3] =	sst s7  }
0x10: {  	[smem:$0x3FB4] =	sst s8  }
0x11: {  	[smem:$0x3FB5] =	sst s9;
	s0 =	simm.s32 @!p0 $0x0  }
0x12: {  	s1 =	sld [smem:$0x3F9B];
	s0 =	simm.s32 @p0 $0x1  }
0x13: {  	[smem:$0x3FB6] =	sst s0;
	s0 =	simm.s32 @!p1 $0x0  }
0x14: {  	s2 =	sld [smem:$0x3F9A];
	s0 =	simm.s32 @p1 $0x1  }
0x15: {  	[smem:$0x3FB7] =	sst s0;
	s0 =	simm.s32 @!p2 $0x0  }
0x16: {  	s3 =	sld [smem:$0x3FDB];
	s0 =	simm.s32 @p2 $0x1  }
0x17: {  	s4 =	simm.s32 $0x1BF5;
	[smem:$0x3FB9] =	sst s0  }
0x18: {  	s0 =	sld [smem:$0x3F9C];
	_ =	swait.ge [sflag:s4], $0x0  }
0x19: {  	s7 =	sld [smem:$0x3F9D]  }
0x1a: {  	s8 =	sadd.s32 $0xFFFFE003, lr  }
0x1b: {  	s9 =	sadd.s32 $0xFFFFFEF7, lr;
	s5 =	simm.s32 $0xFFFFFFFF;
	p2 =	slt.u32 s8, $0xFFFFF086  }
0x1c: {  	p1 =	slt.u32 s9, $0xF7A;
	s5 =	simm.s32 @!p2 $0x0  }
0x1d: {  	s5 =	simm.s32 @p1 $0x1;
	p0 =	seq.s32 s7, s2  }
0x1e: {  	s7 =	smul.u32 @!p0 $0xF7A, s2;
	p2 =	seq.s32 @!p0 s5, $0x0  }
0x1f: {  	s9 =	smul.u32 $0xF7A, s1;
	s8 =	simm.s32 @!p0 $0x1BF5;
	p2 =	por !p2, p0  }
0x20: {  	[sflag:s8] =	ssyncset.s32 @!p0 $0xFFFFF086;
	s6 =	sadd.s32 @!p0 s3, s7;
	s7 =	simm.s32 @!p0 $0x108  }
0x21: {  	s3 =	sadd.s32 s3, s9;
	s6 =	sadd.s32 @!p0 $0x88, s6;
	s7 =	simm.s32 @p2 $0x1082  }
0x22: {  	[simem:s7], [sflag:s8] =	dma.local @!p0 [hbm:s6], $0xF7A  }
0x23: {  	s9 =	sor.u32 $0xD0000000, s2;
	s6 =	simm.s32 $0x108;
	_ =	swait.ge @!p0 [sflag:s8], $0x0  }
0x24: {  	s3 =	sadd.s32 $0x88, s3;
	s6 =	simm.s32 @!p1 $0x1082;
	[sflag:s4] =	ssyncset.s32 $0xFFFFF086  }
0x25: {  	[simem:s6], [sflag:s4] =	dma.local [hbm:s3], $0xF7A  }
0x26: {  	[smem:$0x3F9D] =	sst s1;
	(tag) =	ssettag s2;
	_ =	strace s9  }
0x27: {  	s1 =	sld [smem:$0x3FAD]  }
0x28: {  	s2 =	sld [smem:$0x3FAE]  }
0x29: {  	s4 =	sld [smem:$0x3FB0]  }
0x2a: {  	p0 =	seq.s32 s5, $0x0;
	s5 =	sld [smem:$0x3FB1]  }
0x2b: {  	s6 =	sld [smem:$0x3FB2]  }
0x2c: {  	s7 =	sld [smem:$0x3FB3]  }
0x2d: {  	s3 =	simm.s32 $0x108;
	s8 =	sld [smem:$0x3FB4]  }
0x2e: {  	s3 =	simm.s32 @!p0 $0x1082;
	s9 =	sld [smem:$0x3FB5]  }
0x2f: {  	lr =	sadd.s32 s0, s3;
	s0 =	sld [smem:$0x3FAC]  }
0x30: {  	s3 =	sld [smem:$0x3FAF]  }
0x31: {  	[smem:$0x3FB8] =	sst s10  }
0x32: {  	s10 =	sld [smem:$0x3FB6];
	_ =	sdelay $0x3  }
0x33: {  	p0 =	seq.s32 s10, $0x1;
	s10 =	sld [smem:$0x3FB8];
	_ =	sdelay $0x3  }
0x34: {  	[smem:$0x3FB8] =	sst s10  }
0x35: {  	s10 =	sld [smem:$0x3FB7];
	_ =	sdelay $0x3  }
0x36: {  	p1 =	seq.s32 s10, $0x1;
	s10 =	sld [smem:$0x3FB8];
	_ =	sdelay $0x3  }
0x37: {  	[smem:$0x3FB8] =	sst s10  }
0x38: {  	s10 =	sld [smem:$0x3FB9]  }
0x39: {  	_ = 	snop;
	(pc) =	sbr.ind lr, $3  }
0x3a: {  	_ = 	snop  }
0x3b: {  	_ = 	snop  }
0x3c: {  	p2 =	seq.s32 s10, $0x1;
	s10 =	sld [smem:$0x3FB8]  }
0x3d: {  	_ =	shalt  }
0x3e: {  	_ =	shalt  }
0x3f: {  	_ =	shalt  }
0x40: {  	_ =	shalt  }
0x41: {  	_ =	shalt  }
0x42: {  	_ =	shalt  }
0x43: {  	_ =	shalt  }
0x44: {  	_ =	shalt  }
0x45: {  	_ =	shalt  }
0x46: {  	_ =	shalt  }
0x47: {  	_ =	shalt  }
0x48: {  	_ =	shalt  }
0x49: {  	_ =	shalt  }
0x4a: {  	_ =	shalt  }
0x4b: {  	_ =	shalt  }
0x4c: {  	_ =	shalt  }
0x4d: {  	_ =	shalt  }
0x4e: {  	_ =	shalt  }
0x4f: {  	_ =	shalt  }
0x50: {  	_ =	shalt  }
0x51: {  	_ =	shalt  }
0x52: {  	_ =	shalt  }
0x53: {  	_ =	shalt  }
0x54: {  	_ =	shalt  }
0x55: {  	_ =	shalt  }
0x56: {  	_ =	shalt  }
0x57: {  	_ =	shalt  }
0x58: {  	_ =	shalt  }
0x59: {  	_ =	shalt  }
0x5a: {  	_ =	shalt  }
0x5b: {  	_ =	shalt  }
0x5c: {  	_ =	shalt  }
0x5d: {  	_ =	shalt  }
0x5e: {  	_ =	shalt  }
0x5f: {  	_ =	shalt  }
0x60: {  	_ =	shalt  }
0x61: {  	_ =	shalt  }
0x62: {  	_ =	shalt  }
0x63: {  	_ =	shalt  }
0x64: {  	_ =	shalt  }
0x65: {  	_ =	shalt  }
0x66: {  	_ =	shalt  }
0x67: {  	_ =	shalt  }
0x68: {  	_ =	shalt  }
0x69: {  	_ =	shalt  }
0x6a: {  	_ =	shalt  }
0x6b: {  	_ =	shalt  }
0x6c: {  	_ =	shalt  }
0x6d: {  	_ =	shalt  }
0x6e: {  	_ =	shalt  }
0x6f: {  	_ =	shalt  }
0x70: {  	_ =	shalt  }
0x71: {  	_ =	shalt  }
0x72: {  	_ =	shalt  }
0x73: {  	_ =	shalt  }
0x74: {  	_ =	shalt  }
0x75: {  	_ =	shalt  }
0x76: {  	_ =	shalt  }
0x77: {  	_ =	shalt  }
0x78: {  	_ =	shalt  }
0x79: {  	_ =	shalt  }
0x7a: {  	_ =	shalt  }
0x7b: {  	_ =	shalt  }
0x7c: {  	_ =	shalt  }
0x7d: {  	_ =	shalt  }
0x7e: {  	_ =	shalt  }
0x7f: {  	_ =	shalt  }
0x80: {  	_ =	shalt  }
0x81: {  	_ =	shalt  }
0x82: {  	_ =	shalt  }
0x83: {  	_ =	shalt  }
0x84: {  	_ =	shalt  }
0x85: {  	_ =	shalt  }
0x86: {  	_ =	shalt  }
0x87: {  	_ =	shalt  }
.Lfunc_end0:
.L_simem_size_0:
called_computation.2_lowered:
.L_overlay_start_0:
0x88: {  	s2 =	sld [smem:$0x3FD9]  }
0x89: {  	s3 =	sld [smem:$0x3FFE];
	_ =	sdelay $0x1  }
0x8a: {  	s1 =	srdreg.scid  }
0x8b: {  	s0 =	sand.u32 $0x1, s1  }
0x8c: {  	s17 =	sshll.u32 s0, $0xA;
	s2 =	sadd.s32 s3, s2  }
0x8d: {  	s2 =	sadd.s32 s2, s17  }
0x8e: {  	[smem:$0x3FC4] =	sst s2  }
0x8f: {  	_ = 	snop  }
0x90: {  	s2 =	sld [smem:$0x3FD0];
	(tm) =	ssettm $0x1  }
0x91: {  	s18 =	sld [smem:$0x3FFB];
	_ =	sdelay $0x3  }
0x92: {  	_ =	strace s18  }
0x93: {  	s3 =	sld [smem:$0x3FFC];
	_ =	sdelay $0x3  }
0x94: {  	_ =	strace s3  }
0x95: {  	s3 =	sld [smem:$0x3FFD];
	_ =	sdelay $0x3  }
0x96: {  	_ =	strace s3  }
0x97: {  	_ =	strace $0x8FFFFFFF  }
0x98: {  	s19 =	sld [smem:$0x3FDB];
	_ =	sdelay $0x1  }
0x99: {  	s4 =	simm.s32 $_scs_section_size  }
0x9a: {  	s5 =	simm.s32 $_size__tile_overlayer_lowered;
	s6 =	simm.s32 $_tile_overlayer_lowered  }
0x9b: {  	s22 =	simm.s32 $0x1BFF;
	s21 =	sshll.u32 s6, $0x1;
	s3 =	sadd.s32 s4, s19  }
0x9c: {  	s7 =	simm.s32 $0x0;
	s20 =	sshll.u32 s5, $0x1;
	s5 =	sadd.s32 s21, s3  }
0x9d: {  	[timem:s7], [sflag:s22] =	dma.local [hbm:s5], s20  }
0x9e: {  	_ =	swait.ge [sflag:s22], s20  }
0x9f: {  	s4 =	ssub.s32 $0x0, s20;
	[sflag:s22] =	ssyncset.done $0x0  }
0xa0: {  	[sflag:s22] =	ssyncadd.s32 s4;
	_ =	sdelay $0x1  }
0xa1: {  	s23 =	simm.s32 $0x1B8B  }
0xa2: {  	_ =	swait.ge [sflag:s23], $0x1  }
0xa3: {  	[sflag:s23] =	ssyncset.done $0x0  }
0xa4: {  	s25 =	simm.s32 $0x1B8E;
	s24 =	sld [smem:$0x3FFE];
	[sflag:s23] =	ssyncadd.s32 $0xFFFFFFFF  }
0xa5: {  	s26 =	simm.s32 $execute0_lowered;
	[smem:$0x3FD2] =	sst s25  }
0xa6: {  	s5 =	sshll.u32 s26, $0x1;
	_ =	strace $0x80000049;
	[dreg:$0x1] =	wrdreg $0xFFFFFFFF  }
0xa7: {  	s28 =	simm.s32 $_size_execute0_lowered;
	s3 =	sadd.s32 s3, s5;
	[dreg:$0x0] =	wrdreg $0x0  }
0xa8: {  	s5 =	sshll.u32 s28, $0x1;
	[dreg:$0x2] =	wrdreg s3  }
0xa9: {  	[dreg:$0x3] =	wrdreg s5  }
0xaa: {  	[dreg:$0x4] =	wrdreg $0xC0  }
0xab: {  	_ =	task [dreg:s7], $0x5FFFF  }
0xac: {  	[dreg:$0x1] =	wrdreg $0xFFFFFFFF  }
0xad: {  	[dreg:$0x0] =	wrdreg $0x60  }
0xae: {  	[dreg:$0x2] =	wrdreg s24  }
0xaf: {  	[dreg:$0x3] =	wrdreg s2  }
0xb0: {  	[dreg:$0x4] =	wrdreg $0x9  }
0xb1: {  	_ =	task.clear_ibuf [dreg:s7], $0x5FFFF;
	_ =	strace $0x90000049  }
0xb2: {  	s29 =	simm.s32 $0x9;
	_ =	strace $0x8000004B  }
0xb3: {  	_ =	swait.ge [sflag:s29], $0x1  }
0xb4: {  	[sflag:s29] =	ssyncadd.s32 $0xFFFFFFFF  }
0xb5: {  	_ =	strace $0x9000004B  }
0xb6: {  	_ =	sfence  }
0xb7: {  	s30 =	sld [smem:$0x0];
	_ =	sdelay $0x2  }
0xb8: {  	s31 =	sshll.u32 s1, $0xD;
	s1 =	sshrl.u32 s1, $0x2  }
0xb9: {  	s3 =	sand.u32 $0x4000, s31;
	s1 =	sadd.s32 s1, s30  }
0xba: {  	s0 =	sor.u32 s3, s0;
	s1 =	sshll.u32 s1, $0x11  }
0xbb: {  	s0 =	sor.u32 s1, s0  }
0xbc: {  	s0 =	sadd.s32 $0x8F2B, s0  }
0xbd: {  	[sflag:s0] =	ssyncadd.remote.s32 $0x1  }
0xbe: {  	_ =	sfence.sel $0xFFFF  }
0xbf: {  	[dreg:$0x0] =	wrdreg $0xFFFFFFFF;
	(pc) =	sbr.abs _section_cstart, $3  }
0xc0: {  	[dreg:$0x1] =	wrdreg $0xFFFFFFFF  }
0xc1: {  	_ =	task.clear_ibuf [dreg:s7], $0x2FFFF;
	_ =	strace $0x9FFFFFFF  }
0xc2: {  	(tm) =	ssettm $0x7FFFFFFF  }
0xc3: {  	_ =	shalt  }
tec
execute0_lowered:
.L_overlay_start_1:
0x0: {  	(tag) =	ssettag $0x1  }
0x1: {  	s1 =	srdreg.scid  }
0x2: {  	s0 =	stileid.u32;
	s6 =	rddreg [dreg:$0x0]  }
0x3: {  	s2 =	rddreg [dreg:$0x1];
	s4 =	simm.s32 $0x0;
	s10 =	simm.s32 $0x16800  }
0x4: {  	s11 =	simm.s32 $0x2;
	s12 =	simm.s32 $0xC800;
	s13 =	simm.s32 $0x640  }
0x5: {  	s14 =	simm.s32 $0x50;
	s15 =	simm.s32 $0x7D00;
	s16 =	simm.s32 $0xA500  }
0x6: {  	s17 =	simm.s32 $0xCD00;
	s5 =	sand.u32 $0x1, s1;
	s30 =	sshll.u32 s0, $0x1  }
0x7: {  	s18 =	simm.s32 $0xF500;
	s19 =	simm.s32 $0x1;
	s1 =	sor.u32 s5, s30  }
0x8: {  	s20 =	simm.s32 $0x0;
	s31 =	ssub.s32 $0x2, s5;
	s3 =	smul.u32 $0x640, s1  }
0x9: {  	v0 =	vlaneseq.u32;
	[smem:$0x7FF] =	sst s4;
	s5 =	sadd.s32 $0x1200, s6;
	s9 =	sshrl.u32 s31, $0x1  }
0xa: {  	v4 =	vmul.u32 $0x80, v0;
	s1 =	rddreg [dreg:$0x2];
	s9 =	ssub.s32 s31, s9;
	s7 =	sshrl.u32 s3, $0x3  }
0xb: {  	v2 =	vmul.u32 $0x170, v0;
	_ =	strace $0x8000004A;
	s9 =	smax.u32 s9, $0x1;
	s8 =	sadd.s32 s7, s6  }
0xc: {  	v1 =	vimm.f32 $0.0e+00;
	v3 =	vor.u32 $0x2800, v4;
	v4 =	vor.u32 $0x5000, v4;
	s6 =	sadd.s32 $0x4AFA00, s6;
	s7 =	sadd.s32 $0x4AE000, s8;
	s8 =	sadd.s32 $0x495000, s8  }
.LBB2_1:
0xd: {  	[tilespmem:s10], [sflag:$0x2] =	stream.linear.gather [hbm4b:s6+s4], $0x2000, $0x38;
	[tilespmem:$0x18800] =	vst v63  }
0xe: {  	_ =	swait.ge [sflag:s11], $0x2000  }
0xf: {  	[sflag:s11] =	ssyncset.done $0x0  }
0x10: {  	[sflag:s11] =	ssyncadd.s32 $0xFFFFE000  }
0x11: {  	[tilespmem:$0x16800] =	vst v1  }
0x12: {  	[tilespmem:$0x16810] =	vst v1  }
0x13: {  	[tilespmem:$0x16820] =	vst v1  }
0x14: {  	[tilespmem:$0x16830] =	vst v1  }
0x15: {  	[tilespmem:s4], [sflag:$0x2] =	stream.linear.gather [hbm4b:s7+s4], $0x640, $0x38;
	[tilespmem:$0x18800] =	vst v63  }
0x16: {  	_ =	swait.ge [sflag:s11], $0x640  }
0x17: {  	[sflag:s11] =	ssyncset.done $0x0  }
0x18: {  	[sflag:s11] =	ssyncadd.s32 $0xFFFFF9C0  }
0x19: {  	[tilespmem:s13], [sflag:$0x2] =	stream.strided.gather [hbm4b:s8+s13], $0x6400, s12, s13, $0x38;
	[tilespmem:$0x18800] =	vst v63  }
0x1a: {  	_ =	swait.ge [sflag:s11], $0x6400  }
0x1b: {  	[sflag:s11] =	ssyncset.done $0x0  }
0x1c: {  	s22 =	simm.s32 $0x0;
	[sflag:s11] =	ssyncadd.s32 $0xFFFF9C00  }
0x1d: {  	v5 =	vld [tilespmem:s22+$0x0];
	_ =	sdelay $0x2  }
0x1e: {  	s21 =	simm.s32 $0x40  }
.LBB2_2:
0x1f: {  	p0 =	sne.s32 s21, $0x18C0  }
.Ltmp0:
0x20: {  	s23 =	sshra.s32 s21, $0x2;
	s21 =	sadd.s32 $0x40, s21;
	v6 =	vmul.u32 $0x3, v5;
	(pc) =	sbr.rel @p0 .LBB2_2-.Ltmp0, $4  }
0x21: {  	v5 =	vld [tilespmem:s23+$0x0]  }
0x22: {  	[tilespmem:s22+$0x6A40] =	vst v6;
	v7 =	vadd.s32 $0x1, v6;
	v6 =	vadd.s32 $0x2, v6  }
0x23: {  	[tilespmem:s22+$0x76C0] =	vst v6  }
0x24: {  	[tilespmem:s22+$0x7080] =	vst v7;
	s22 =	smov.u32 s23  }
0x25: {  	_ = 	snop  }
0x26: {  	v5 =	vmul.u32 $0x3, v5;
	_ =	sdelay $0x1  }
0x27: {  	[tilespmem:s22+$0x6A40] =	vst v5;
	v6 =	vadd.s32 $0x2, v5  }
0x28: {  	v5 =	vadd.s32 $0x1, v5;
	[tilespmem:s22+$0x76C0] =	vst v6  }
0x29: {  	s21 =	simm.s32 $0x0;
	[tilespmem:s22+$0x7080] =	vst v5  }
.LBB2_4:
0x2a: {  	s22 =	smul.u32 $0x50, s21;
	_ =	sdelay $0x1  }
0x2b: {  	s23 =	sadd.s32 $0x6A40, s22  }
0x2c: {  	[tilespmem:s15], [sflag:$0x1] =	stream.indirect.gather [hbm4b:s5+s14], $0x80, s23, s14, $0xb8;
	[tilespmem:$0x18800] =	vst v63  }
0x2d: {  	s29 =	sadd.s32 $0x7080, s22  }
0x2e: {  	[tilespmem:s16], [sflag:$0x1] =	stream.indirect.gather [hbm4b:s5+s14], $0x80, s29, s14, $0xb8;
	[tilespmem:$0x18800] =	vst v63  }
0x2f: {  	s30 =	sadd.s32 $0x76C0, s22;
	s31 =	sadd.s32 $0x640, s22;
	s23 =	simm.s32 $0x0  }
0x30: {  	v5 =	vmov s31;
	[tilespmem:s17], [sflag:$0x1] =	stream.indirect.gather [hbm4b:s5+s14], $0x80, s30, s14, $0xb8;
	[tilespmem:$0x18800] =	vst v63  }
.LBB2_5:
0x31: {  	_ =	sdelay $0x2  }
0x32: {  	s24 =	sshll.u32 s23, $0x4  }
0x33: {  	v6 =	vld.idx.msk [tilespmem:v5+s24+$0x0 ss:$0x1], $0xffff  }
0x34: {  	v7 =	vld.idx.msk [tilespmem:v5+s24+$0x640 ss:$0x1], $0xffff  }
0x35: {  	v8 =	vld.idx.msk [tilespmem:v5+s24+$0xC80 ss:$0x1], $0xffff  }
0x36: {  	v9 =	vld.idx.msk [tilespmem:v5+s24+$0x12C0 ss:$0x1], $0xffff  }
0x37: {  	v10 =	vld.idx.msk [tilespmem:v5+s24+$0x1900 ss:$0x1], $0xffff  }
0x38: {  	v11 =	vld.idx.msk [tilespmem:v5+s24+$0x1F40 ss:$0x1], $0xffff  }
0x39: {  	v12 =	vld.idx.msk [tilespmem:v5+s24+$0x2580 ss:$0x1], $0xffff  }
0x3a: {  	v13 =	vld.idx.msk [tilespmem:v5+s24+$0x2BC0 ss:$0x1], $0xffff  }
0x3b: {  	s25 =	simm.s32 $0x0;
	v14 =	vld.idx.msk [tilespmem:v5+s24+$0x3200 ss:$0x1], $0xffff  }
0x3c: {  	v15 =	vld.idx.msk [tilespmem:v5+s24+$0x3840 ss:$0x1], $0xffff;
	v22 =	vmov s25  }
0x3d: {  	v16 =	vld.idx.msk [tilespmem:v5+s24+$0x3E80 ss:$0x1], $0xffff;
	v23 =	vand.u32 $0x3E, v22;
	v6 =	vshll.u32 v6, $0x6  }
0x3e: {  	v17 =	vld.idx.msk [tilespmem:v5+s24+$0x44C0 ss:$0x1], $0xffff;
	v7 =	vshll.u32 v7, $0x6;
	v18 =	vor.u32 v6, v23  }
0x3f: {  	v19 =	vld.idx.msk [tilespmem:v5+s24+$0x4B00 ss:$0x1], $0xffff;
	v8 =	vshll.u32 v8, $0x6;
	v20 =	vor.u32 v7, v23  }
0x40: {  	v21 =	vld.idx.msk [tilespmem:v5+s24+$0x5140 ss:$0x1], $0xffff;
	v9 =	vshll.u32 v9, $0x6;
	v24 =	vor.u32 v8, v23  }
0x41: {  	v25 =	vld.idx.msk [tilespmem:v5+s24+$0x5780 ss:$0x1], $0xffff;
	v10 =	vshll.u32 v10, $0x6;
	v26 =	vor.u32 v9, v23  }
0x42: {  	v27 =	vld.idx.msk [tilespmem:v5+s24+$0x5DC0 ss:$0x1], $0xffff;
	v11 =	vshll.u32 v11, $0x6;
	v28 =	vor.u32 v10, v23  }
0x43: {  	v12 =	vshll.u32 v12, $0x6;
	v30 =	vor.u32 v11, v23;
	v29 =	vld.idx.msk [tilespmem:v18+s10+$0x0], $0xffff  }
0x44: {  	v13 =	vshll.u32 v13, $0x6;
	v32 =	vor.u32 v12, v23;
	v31 =	vld.idx.msk [tilespmem:v20+s10+$0x0], $0xffff  }
0x45: {  	v14 =	vshll.u32 v14, $0x6;
	v33 =	vor.u32 v13, v23;
	v24 =	vld.idx.msk [tilespmem:v24+s10+$0x0], $0xffff  }
0x46: {  	v15 =	vshll.u32 v15, $0x6;
	v34 =	vor.u32 v14, v23;
	v26 =	vld.idx.msk [tilespmem:v26+s10+$0x0], $0xffff  }
0x47: {  	v35 =	vmov s24;
	v36 =	vor.u32 v15, v23;
	v18 =	vshll.u32 v16, $0x6;
	v28 =	vld.idx.msk [tilespmem:v28+s10+$0x0], $0xffff  }
0x48: {  	v20 =	vshll.u32 v17, $0x6;
	v16 =	vshll.u32 v19, $0x6;
	v30 =	vld.idx.msk [tilespmem:v30+s10+$0x0], $0xffff;
	v37 =	vor.u32 v18, v23  }
0x49: {  	v17 =	vshll.u32 v21, $0x6;
	v32 =	vld.idx.msk [tilespmem:v32+s10+$0x0], $0xffff;
	v38 =	vor.u32 v20, v23;
	v21 =	vmax.f32 v29, v31  }
0x4a: {  	v19 =	vshll.u32 v25, $0x6;
	v25 =	vld.idx.msk [tilespmem:v33+s10+$0x0], $0xffff;
	v29 =	vor.u32 v16, v23;
	v24 =	vmax.f32 v21, v24  }
0x4b: {  	v31 =	vor.u32 v17, v23;
	v21 =	vshll.u32 v27, $0x6;
	v27 =	vld.idx.msk [tilespmem:v34+s10+$0x0], $0xffff;
	v24 =	vmax.f32 v24, v26  }
0x4c: {  	v53 =	vld.idx.msk [tilespmem:v36+s10+$0x0], $0xffff;
	v54 =	vor.u32 v19, v23;
	v26 =	vmul.u32 $0x170, v35;
	v24 =	vmax.f32 v24, v28  }
0x4d: {  	v23 =	vor.u32 v21, v23;
	v28 =	vld.idx.msk [tilespmem:v37+s10+$0x0], $0xffff;
	v24 =	vmax.f32 v24, v30  }
0x4e: {  	v26 =	vbroadcast v26, $0x0;
	v30 =	vld.idx.msk [tilespmem:v38+s10+$0x0], $0xffff;
	v24 =	vmax.f32 v24, v32  }
0x4f: {  	v29 =	vld.idx.msk [tilespmem:v29+s10+$0x0], $0xffff;
	v24 =	vmax.f32 v24, v25  }
0x50: {  	s31 =	simm.s32 $0x1;
	v55 =	vadd.s32 $0x12C, v22;
	v22 =	vadd.s32 v2, v26;
	v26 =	vld.idx.msk [tilespmem:v31+s10+$0x0], $0xffff;
	v24 =	vmax.f32 v24, v27  }
0x51: {  	v25 =	vand.u32 $0x178, v55;
	v31 =	vmov s31;
	v27 =	vld.idx.msk [tilespmem:v54+s10+$0x0], $0xffff;
	v24 =	vmax.f32 v24, v53  }
0x52: {  	v25 =	vadd.s32 v22, v25;
	v23 =	vld.idx.msk [tilespmem:v23+s10+$0x0], $0xffff;
	v24 =	vmax.f32 v24, v28;
	v28 =	vand.u32 $0x6, v55  }
0x53: {  	v24 =	vmax.f32 v24, v30;
	v25 =	vor.u32 v28, v25;
	v28 =	vand.u32 $0x3F, v31  }
0x54: {  	v24 =	vmax.f32 v24, v29;
	v29 =	vor.u32 v6, v28  }
0x55: {  	v24 =	vmax.f32 v24, v26;
	v26 =	vor.u32 v7, v28  }
0x56: {  	v24 =	vmax.f32 v24, v27;
	v27 =	vor.u32 v8, v28  }
0x57: {  	v23 =	vmax.f32 v24, v23;
	v24 =	vor.u32 v9, v28  }
0x58: {  	[tilespmem:v25+s18+$0x0] =	vst.idx.msk $0xffff, v23;
	v23 =	vor.u32 v10, v28  }
0x59: {  	v25 =	vld.idx.msk [tilespmem:v29+s10+$0x0], $0xffff;
	v29 =	vor.u32 v11, v28  }
0x5a: {  	v30 =	vor.u32 v12, v28;
	v26 =	vld.idx.msk [tilespmem:v26+s10+$0x0], $0xffff  }
0x5b: {  	v56 =	vor.u32 v13, v28;
	v27 =	vld.idx.msk [tilespmem:v27+s10+$0x0], $0xffff  }
0x5c: {  	v57 =	vor.u32 v14, v28;
	v24 =	vld.idx.msk [tilespmem:v24+s10+$0x0], $0xffff  }
0x5d: {  	v58 =	vor.u32 v15, v28;
	v23 =	vld.idx.msk [tilespmem:v23+s10+$0x0], $0xffff  }
0x5e: {  	v59 =	vor.u32 v18, v28;
	v29 =	vld.idx.msk [tilespmem:v29+s10+$0x0], $0xffff  }
0x5f: {  	v60 =	vor.u32 v20, v28;
	v30 =	vld.idx.msk [tilespmem:v30+s10+$0x0], $0xffff;
	v25 =	vmax.f32 v25, v26  }
0x60: {  	v26 =	vld.idx.msk [tilespmem:v56+s10+$0x0], $0xffff;
	v25 =	vmax.f32 v25, v27  }
0x61: {  	v61 =	vld.idx.msk [tilespmem:v57+s10+$0x0], $0xffff;
	v27 =	vor.u32 v16, v28;
	v24 =	vmax.f32 v25, v24  }
0x62: {  	v62 =	vor.u32 v17, v28;
	v34 =	vld.idx.msk [tilespmem:v58+s10+$0x0], $0xffff;
	v23 =	vmax.f32 v24, v23  }
0x63: {  	v35 =	vld.idx.msk [tilespmem:v59+s10+$0x0], $0xffff;
	v24 =	vor.u32 v19, v28;
	v23 =	vmax.f32 v23, v29  }
0x64: {  	v36 =	vld.idx.msk [tilespmem:v60+s10+$0x0], $0xffff;
	v29 =	vadd.s32 $0x12C, v31;
	v31 =	vor.u32 v21, v28;
	v23 =	vmax.f32 v23, v30  }
0x65: {  	v25 =	vand.u32 $0x178, v29;
	v23 =	vmax.f32 v23, v26  }
0x66: {  	s24 =	simm.s32 $0x2;
	v28 =	vand.u32 $0x7, v29;
	v26 =	vadd.s32 v22, v25;
	v25 =	vld.idx.msk [tilespmem:v27+s10+$0x0], $0xffff;
	v23 =	vmax.f32 v23, v61  }
0x67: {  	v29 =	vmov s24;
	v27 =	vld.idx.msk [tilespmem:v62+s10+$0x0], $0xffff;
	v26 =	vor.u32 v28, v26;
	v30 =	vmax.f32 v23, v34  }
0x68: {  	v28 =	vld.idx.msk [tilespmem:v24+s10+$0x0], $0xffff;
	v24 =	vand.u32 $0x3E, v29;
	v23 =	vadd.s32 $0x12C, v29;
	v63 =	vmax.f32 v30, v35  }
0x69: {  	s25 =	simm.s32 $0x4;
	v30 =	vld.idx.msk [tilespmem:v31+s10+$0x0], $0xffff;
	v31 =	vor.u32 v6, v24;
	v29 =	vor.u32 v7, v24;
	v32 =	vmax.f32 v63, v36  }
.LBB2_6:
0x6a: {  	p0 =	slt.u32 s25, $0x3E;
	v33 =	vor.u32 v8, v24;
	v34 =	vand.u32 $0x178, v23;
	s26 =	smov.u32 s25;
	s25 =	sadd.s32 $0x2, s25  }
0x6b: {  	v25 =	vmax.f32 v32, v25;
	v34 =	vadd.s32 v22, v34  }
0x6c: {  	v25 =	vmax.f32 v25, v27  }
0x6d: {  	v25 =	vmax.f32 v25, v28  }
0x6e: {  	v27 =	vor.u32 v9, v24;
	v25 =	vmax.f32 v25, v30  }
0x6f: {  	v28 =	vor.u32 v10, v24;
	[tilespmem:v26+s18+$0x0] =	vst.idx.msk $0xffff, v25  }
0x70: {  	v26 =	vor.u32 v11, v24;
	v25 =	vld.idx.msk [tilespmem:v31+s10+$0x0], $0xffff  }
0x71: {  	v30 =	vor.u32 v12, v24;
	v29 =	vld.idx.msk [tilespmem:v29+s10+$0x0], $0xffff  }
0x72: {  	v32 =	vor.u32 v13, v24;
	v31 =	vld.idx.msk [tilespmem:v33+s10+$0x0], $0xffff  }
0x73: {  	v33 =	vor.u32 v14, v24;
	v27 =	vld.idx.msk [tilespmem:v27+s10+$0x0], $0xffff  }
0x74: {  	v35 =	vor.u32 v15, v24;
	v28 =	vld.idx.msk [tilespmem:v28+s10+$0x0], $0xffff  }
0x75: {  	v36 =	vor.u32 v18, v24;
	v26 =	vld.idx.msk [tilespmem:v26+s10+$0x0], $0xffff  }
0x76: {  	v37 =	vor.u32 v20, v24;
	v30 =	vld.idx.msk [tilespmem:v30+s10+$0x0], $0xffff  }
0x77: {  	v25 =	vmax.f32 v25, v29;
	v29 =	vld.idx.msk [tilespmem:v32+s10+$0x0], $0xffff;
	v32 =	vor.u32 v16, v24  }
0x78: {  	v25 =	vmax.f32 v25, v31;
	v31 =	vld.idx.msk [tilespmem:v33+s10+$0x0], $0xffff;
	v33 =	vor.u32 v17, v24  }
0x79: {  	v25 =	vmax.f32 v25, v27;
	v27 =	vld.idx.msk [tilespmem:v35+s10+$0x0], $0xffff;
	v35 =	vor.u32 v19, v24  }
0x7a: {  	v25 =	vmax.f32 v25, v28;
	v24 =	vor.u32 v21, v24;
	v28 =	vld.idx.msk [tilespmem:v36+s10+$0x0], $0xffff  }
0x7b: {  	v25 =	vmax.f32 v25, v26;
	v26 =	vld.idx.msk [tilespmem:v37+s10+$0x0], $0xffff  }
0x7c: {  	v25 =	vmax.f32 v25, v30;
	v30 =	vld.idx.msk [tilespmem:v32+s10+$0x0], $0xffff  }
0x7d: {  	v25 =	vmax.f32 v25, v29;
	v29 =	vld.idx.msk [tilespmem:v33+s10+$0x0], $0xffff  }
0x7e: {  	v25 =	vmax.f32 v25, v31;
	v31 =	vld.idx.msk [tilespmem:v35+s10+$0x0], $0xffff  }
0x7f: {  	s28 =	sadd.s32 $0x1, s24;
	s24 =	smov.u32 s26;
	v25 =	vmax.f32 v25, v27;
	v24 =	vld.idx.msk [tilespmem:v24+s10+$0x0], $0xffff  }
0x80: {  	v23 =	vand.u32 $0x6, v23;
	v27 =	vmov s28;
	v25 =	vmax.f32 v25, v28  }
0x81: {  	v23 =	vor.u32 v23, v34;
	v25 =	vmax.f32 v25, v26;
	v26 =	vand.u32 $0x3F, v27  }
0x82: {  	v25 =	vmax.f32 v25, v30;
	v28 =	vor.u32 v6, v26;
	v30 =	vadd.s32 $0x12C, v27  }
0x83: {  	v27 =	vor.u32 v7, v26;
	v25 =	vmax.f32 v25, v29;
	v29 =	vand.u32 $0x178, v30  }
0x84: {  	v25 =	vmax.f32 v25, v31;
	v31 =	vor.u32 v8, v26;
	v29 =	vadd.s32 v22, v29  }
0x85: {  	v24 =	vmax.f32 v25, v24;
	v25 =	vor.u32 v9, v26  }
0x86: {  	[tilespmem:v23+s18+$0x0] =	vst.idx.msk $0xffff, v24;
	v23 =	vor.u32 v10, v26  }
0x87: {  	v24 =	vld.idx.msk [tilespmem:v28+s10+$0x0], $0xffff;
	v28 =	vor.u32 v11, v26  }
0x88: {  	v32 =	vor.u32 v12, v26;
	v27 =	vld.idx.msk [tilespmem:v27+s10+$0x0], $0xffff  }
0x89: {  	v33 =	vor.u32 v13, v26;
	v31 =	vld.idx.msk [tilespmem:v31+s10+$0x0], $0xffff  }
0x8a: {  	v34 =	vor.u32 v14, v26;
	v25 =	vld.idx.msk [tilespmem:v25+s10+$0x0], $0xffff  }
0x8b: {  	v35 =	vor.u32 v15, v26;
	v23 =	vld.idx.msk [tilespmem:v23+s10+$0x0], $0xffff  }
0x8c: {  	v36 =	vor.u32 v18, v26;
	v28 =	vld.idx.msk [tilespmem:v28+s10+$0x0], $0xffff  }
0x8d: {  	v37 =	vor.u32 v20, v26;
	v32 =	vld.idx.msk [tilespmem:v32+s10+$0x0], $0xffff  }
0x8e: {  	v24 =	vmax.f32 v24, v27;
	v27 =	vld.idx.msk [tilespmem:v33+s10+$0x0], $0xffff;
	v33 =	vor.u32 v16, v26  }
0x8f: {  	v24 =	vmax.f32 v24, v31;
	v31 =	vld.idx.msk [tilespmem:v34+s10+$0x0], $0xffff;
	v34 =	vor.u32 v17, v26  }
0x90: {  	v38 =	vor.u32 v19, v26;
	v24 =	vmax.f32 v24, v25;
	v35 =	vld.idx.msk [tilespmem:v35+s10+$0x0], $0xffff  }
0x91: {  	v23 =	vmax.f32 v24, v23;
	v24 =	vor.u32 v21, v26;
	v36 =	vld.idx.msk [tilespmem:v36+s10+$0x0], $0xffff  }
0x92: {  	v23 =	vmax.f32 v23, v28;
	v37 =	vld.idx.msk [tilespmem:v37+s10+$0x0], $0xffff  }
0x93: {  	v23 =	vmax.f32 v23, v32;
	v25 =	vld.idx.msk [tilespmem:v33+s10+$0x0], $0xffff  }
.Ltmp1:
0x94: {  	v23 =	vmax.f32 v23, v27;
	v27 =	vld.idx.msk [tilespmem:v34+s10+$0x0], $0xffff;
	(pc) =	sbr.rel @p0 .LBB2_6-.Ltmp1, $4  }
0x95: {  	v26 =	vand.u32 $0x7, v30;
	v23 =	vmax.f32 v23, v31;
	v28 =	vld.idx.msk [tilespmem:v38+s10+$0x0], $0xffff  }
0x96: {  	v26 =	vor.u32 v26, v29;
	v31 =	vmov s24;
	v32 =	vmax.f32 v23, v35;
	v30 =	vld.idx.msk [tilespmem:v24+s10+$0x0], $0xffff  }
0x97: {  	v23 =	vadd.s32 $0x12C, v31;
	v24 =	vand.u32 $0x3E, v31;
	v32 =	vmax.f32 v32, v36  }
0x98: {  	v31 =	vor.u32 v6, v24;
	v29 =	vor.u32 v7, v24;
	v32 =	vmax.f32 v32, v37  }
0x99: {  	v25 =	vmax.f32 v32, v25  }
0x9a: {  	v25 =	vmax.f32 v25, v27  }
0x9b: {  	v46 =	vor.u32 v8, v24;
	v25 =	vmax.f32 v25, v28  }
0x9c: {  	v47 =	vor.u32 v9, v24;
	v25 =	vmax.f32 v25, v30  }
0x9d: {  	v48 =	vor.u32 v10, v24;
	[tilespmem:v26+s18+$0x0] =	vst.idx.msk $0xffff, v25  }
0x9e: {  	v49 =	vor.u32 v11, v24;
	v25 =	vld.idx.msk [tilespmem:v31+s10+$0x0], $0xffff  }
0x9f: {  	v50 =	vor.u32 v12, v24;
	v29 =	vld.idx.msk [tilespmem:v29+s10+$0x0], $0xffff  }
0xa0: {  	v51 =	vor.u32 v13, v24;
	v27 =	vld.idx.msk [tilespmem:v46+s10+$0x0], $0xffff  }
0xa1: {  	v33 =	vor.u32 v14, v24;
	v28 =	vld.idx.msk [tilespmem:v47+s10+$0x0], $0xffff  }
0xa2: {  	v34 =	vor.u32 v15, v24;
	v30 =	vld.idx.msk [tilespmem:v48+s10+$0x0], $0xffff  }
0xa3: {  	v35 =	vor.u32 v18, v24;
	v26 =	vld.idx.msk [tilespmem:v49+s10+$0x0], $0xffff  }
0xa4: {  	v36 =	vor.u32 v20, v24;
	v31 =	vld.idx.msk [tilespmem:v50+s10+$0x0], $0xffff;
	v25 =	vmax.f32 v25, v29  }
0xa5: {  	v53 =	vor.u32 v16, v24;
	v52 =	vld.idx.msk [tilespmem:v51+s10+$0x0], $0xffff;
	v25 =	vmax.f32 v25, v27  }
0xa6: {  	v55 =	vor.u32 v17, v24;
	v54 =	vld.idx.msk [tilespmem:v33+s10+$0x0], $0xffff;
	v25 =	vmax.f32 v25, v28  }
0xa7: {  	v57 =	vor.u32 v19, v24;
	v56 =	vld.idx.msk [tilespmem:v34+s10+$0x0], $0xffff;
	v25 =	vmax.f32 v25, v30  }
0xa8: {  	v59 =	vor.u32 v21, v24;
	v58 =	vld.idx.msk [tilespmem:v35+s10+$0x0], $0xffff;
	v25 =	vmax.f32 v25, v26  }
0xa9: {  	v60 =	vld.idx.msk [tilespmem:v36+s10+$0x0], $0xffff;
	v25 =	vmax.f32 v25, v31  }
0xaa: {  	v61 =	vld.idx.msk [tilespmem:v53+s10+$0x0], $0xffff;
	v25 =	vmax.f32 v25, v52  }
0xab: {  	v63 =	vld.idx.msk [tilespmem:v55+s10+$0x0], $0xffff;
	v25 =	vmax.f32 v25, v54  }
0xac: {  	v62 =	vand.u32 $0x178, v23;
	s24 =	sadd.s32 $0x1, s24;
	v38 =	vand.u32 $0x6, v23;
	v37 =	vld.idx.msk [tilespmem:v57+s10+$0x0], $0xffff;
	v25 =	vmax.f32 v25, v56  }
0xad: {  	v39 =	vmov s24;
	v36 =	vadd.s32 v22, v62;
	v24 =	vld.idx.msk [tilespmem:v59+s10+$0x0], $0xffff;
	v25 =	vmax.f32 v25, v58  }
0xae: {  	v40 =	vand.u32 $0x3F, v39;
	v23 =	vor.u32 v38, v36;
	v25 =	vmax.f32 v25, v60  }
0xaf: {  	v6 =	vor.u32 v6, v40;
	v25 =	vmax.f32 v25, v61  }
0xb0: {  	v7 =	vor.u32 v7, v40;
	v25 =	vmax.f32 v25, v63  }
0xb1: {  	v41 =	vor.u32 v8, v40;
	v25 =	vmax.f32 v25, v37  }
0xb2: {  	v42 =	vor.u32 v9, v40;
	v24 =	vmax.f32 v25, v24  }
0xb3: {  	v43 =	vor.u32 v10, v40;
	[tilespmem:v23+s18+$0x0] =	vst.idx.msk $0xffff, v24  }
0xb4: {  	v44 =	vor.u32 v11, v40;
	v6 =	vld.idx.msk [tilespmem:v6+s10+$0x0], $0xffff  }
0xb5: {  	v45 =	vor.u32 v12, v40;
	v7 =	vld.idx.msk [tilespmem:v7+s10+$0x0], $0xffff  }
0xb6: {  	v46 =	vor.u32 v13, v40;
	v8 =	vld.idx.msk [tilespmem:v41+s10+$0x0], $0xffff  }
0xb7: {  	v47 =	vor.u32 v14, v40;
	v9 =	vld.idx.msk [tilespmem:v42+s10+$0x0], $0xffff  }
0xb8: {  	v48 =	vor.u32 v15, v40;
	v10 =	vld.idx.msk [tilespmem:v43+s10+$0x0], $0xffff  }
0xb9: {  	v49 =	vor.u32 v18, v40;
	v11 =	vld.idx.msk [tilespmem:v44+s10+$0x0], $0xffff  }
0xba: {  	v50 =	vor.u32 v20, v40;
	v12 =	vld.idx.msk [tilespmem:v45+s10+$0x0], $0xffff;
	v6 =	vmax.f32 v6, v7  }
0xbb: {  	v51 =	vor.u32 v16, v40;
	v7 =	vld.idx.msk [tilespmem:v46+s10+$0x0], $0xffff;
	v6 =	vmax.f32 v6, v8  }
0xbc: {  	v53 =	vor.u32 v17, v40;
	v52 =	vld.idx.msk [tilespmem:v47+s10+$0x0], $0xffff;
	v6 =	vmax.f32 v6, v9  }
0xbd: {  	v55 =	vor.u32 v19, v40;
	v54 =	vld.idx.msk [tilespmem:v48+s10+$0x0], $0xffff;
	v6 =	vmax.f32 v6, v10  }
0xbe: {  	v57 =	vor.u32 v21, v40;
	v56 =	vld.idx.msk [tilespmem:v49+s10+$0x0], $0xffff;
	v6 =	vmax.f32 v6, v11  }
0xbf: {  	v58 =	vld.idx.msk [tilespmem:v50+s10+$0x0], $0xffff;
	v6 =	vmax.f32 v6, v12  }
0xc0: {  	v59 =	vld.idx.msk [tilespmem:v51+s10+$0x0], $0xffff;
	v6 =	vmax.f32 v6, v7  }
0xc1: {  	v60 =	vld.idx.msk [tilespmem:v53+s10+$0x0], $0xffff;
	v7 =	vadd.s32 $0x12C, v39;
	v6 =	vmax.f32 v6, v52  }
0xc2: {  	v62 =	vld.idx.msk [tilespmem:v55+s10+$0x0], $0xffff;
	v61 =	vand.u32 $0x178, v7;
	v6 =	vmax.f32 v6, v54  }
0xc3: {  	s23 =	sadd.s32 $0x1, s23;
	v63 =	vld.idx.msk [tilespmem:v57+s10+$0x0], $0xffff;
	v7 =	vand.u32 $0x7, v7;
	v8 =	vadd.s32 v22, v61;
	v6 =	vmax.f32 v6, v56  }
0xc4: {  	p0 =	sne.s32 s23, $0x5;
	v7 =	vor.u32 v7, v8;
	v6 =	vmax.f32 v6, v58  }
.Ltmp2:
0xc5: {  	v6 =	vmax.f32 v6, v59;
	(pc) =	sbr.rel @p0 .LBB2_5-.Ltmp2, $4  }
0xc6: {  	v6 =	vmax.f32 v6, v60  }
0xc7: {  	v6 =	vmax.f32 v6, v62  }
0xc8: {  	v6 =	vmax.f32 v6, v63  }
0xc9: {  	[tilespmem:v7+s18+$0x0] =	vst.idx.msk $0xffff, v6  }
0xca: {  	_ =	swait.ge [sflag:s19], $0x2800  }
0xcb: {  	[sflag:s19] =	ssyncset.done $0x0  }
0xcc: {  	[sflag:s19] =	ssyncadd.s32 $0xFFFFD800  }
0xcd: {  	_ =	swait.ge [sflag:s19], $0x2800  }
0xce: {  	[sflag:s19] =	ssyncset.done $0x0  }
0xcf: {  	[sflag:s19] =	ssyncadd.s32 $0xFFFFD800  }
0xd0: {  	_ =	swait.ge [sflag:s19], $0x2800  }
0xd1: {  	[sflag:s19] =	ssyncset.done $0x0  }
0xd2: {  	s23 =	simm.s32 $0x0;
	s24 =	simm.s32 $0x0;
	[sflag:s19] =	ssyncadd.s32 $0xFFFFD800  }
.LBB2_9:
0xd3: {  	s26 =	sshll.u32 s24, $0x4  }
0xd4: {  	v7 =	vmov s23;
	v5 =	vor.u32 s26, v0  }
0xd5: {  	v8 =	vand.u32 $0x78, v7;
	v6 =	vshll.u32 v5, $0x7  }
0xd6: {  	v7 =	vand.u32 $0x4, v7;
	v9 =	vor.u32 v6, v8  }
0xd7: {  	v9 =	vor.u32 v7, v9;
	_ =	sdelay $0x1  }
0xd8: {  	s25 =	simm.s32 $0x1;
	v5 =	vmul.u32 $0x170, v5  }
0xd9: {  	v10 =	vmov s25  }
0xda: {  	v11 =	vand.u32 $0x78, v10;
	v8 =	vadd.s32 v5, v8  }
0xdb: {  	v7 =	vor.u32 v7, v8;
	v8 =	vand.u32 $0x5, v10;
	v10 =	vor.u32 v6, v11;
	v9 =	vld.idx.msk [tilespmem:v9+s15+$0x0], $0xffff  }
0xdc: {  	v10 =	vor.u32 v8, v10;
	_ =	sdelay $0x3  }
0xdd: {  	s30 =	simm.s32 $0x2;
	[tilespmem:v7+s18+$0x0] =	vst.idx.msk $0xffff, v9;
	v7 =	vadd.s32 v5, v11  }
0xde: {  	v12 =	vmov s30;
	v10 =	vld.idx.msk [tilespmem:v10+s15+$0x0], $0xffff;
	v7 =	vor.u32 v8, v7  }
0xdf: {  	v9 =	vand.u32 $0x78, v12  }
0xe0: {  	v8 =	vand.u32 $0x6, v12;
	v11 =	vor.u32 v6, v9  }
0xe1: {  	v11 =	vor.u32 v8, v11;
	_ =	sdelay $0x1  }
0xe2: {  	s31 =	simm.s32 $0x3;
	[tilespmem:v7+s18+$0x0] =	vst.idx.msk $0xffff, v10;
	v7 =	vadd.s32 v5, v9  }
0xe3: {  	v13 =	vor.u32 v8, v7;
	v7 =	vmov s31  }
0xe4: {  	v9 =	vand.u32 $0x78, v7  }
0xe5: {  	v63 =	vld.idx.msk [tilespmem:v11+s15+$0x0], $0xffff;
	v8 =	vand.u32 $0x7, v7;
	v10 =	vor.u32 v6, v9  }
0xe6: {  	v10 =	vor.u32 v8, v10;
	_ =	sdelay $0x2  }
0xe7: {  	s25 =	simm.s32 $0x4  }
0xe8: {  	v11 =	vmov s25;
	v7 =	vmov s26;
	s26 =	simm.s32 $0x8;
	[tilespmem:v13+s18+$0x0] =	vst.idx.msk $0xffff, v63  }
.LBB2_10:
0xe9: {  	p0 =	slt.u32 s26, $0x7C;
	v12 =	vand.u32 $0x78, v11;
	v10 =	vld.idx.msk [tilespmem:v10+s15+$0x0], $0xffff;
	v9 =	vadd.s32 v5, v9  }
0xea: {  	v11 =	vand.u32 $0x4, v11;
	v13 =	vor.u32 v6, v12;
	v8 =	vor.u32 v8, v9  }
0xeb: {  	v9 =	vor.u32 v11, v13;
	_ =	sdelay $0x2  }
0xec: {  	s28 =	sadd.s32 $0x1, s25  }
0xed: {  	v13 =	vmov s28;
	[tilespmem:v8+s18+$0x0] =	vst.idx.msk $0xffff, v10  }
0xee: {  	v10 =	vand.u32 $0x78, v13;
	v8 =	vld.idx.msk [tilespmem:v9+s15+$0x0], $0xffff;
	v9 =	vadd.s32 v5, v12  }
0xef: {  	v12 =	vor.u32 v6, v10;
	v9 =	vor.u32 v11, v9;
	v11 =	vand.u32 $0x5, v13  }
0xf0: {  	v12 =	vor.u32 v11, v12;
	_ =	sdelay $0x2  }
0xf1: {  	s28 =	sadd.s32 $0x2, s25  }
0xf2: {  	[tilespmem:v9+s18+$0x0] =	vst.idx.msk $0xffff, v8;
	v8 =	vmov s28  }
0xf3: {  	v10 =	vadd.s32 v5, v10;
	v9 =	vld.idx.msk [tilespmem:v12+s15+$0x0], $0xffff;
	v12 =	vand.u32 $0x78, v8  }
0xf4: {  	v10 =	vor.u32 v11, v10;
	v8 =	vand.u32 $0x6, v8;
	v11 =	vor.u32 v6, v12  }
0xf5: {  	v11 =	vor.u32 v8, v11;
	_ =	sdelay $0x2  }
0xf6: {  	s28 =	sadd.s32 $0x3, s25;
	s25 =	smov.u32 s26  }
0xf7: {  	[tilespmem:v10+s18+$0x0] =	vst.idx.msk $0xffff, v9;
	v10 =	vmov s28  }
0xf8: {  	v13 =	vld.idx.msk [tilespmem:v11+s15+$0x0], $0xffff;
	v11 =	vadd.s32 v5, v12;
	v9 =	vand.u32 $0x78, v10  }
0xf9: {  	v12 =	vor.u32 v8, v11;
	v8 =	vand.u32 $0x7, v10;
	v10 =	vor.u32 v6, v9  }
.Ltmp3:
0xfa: {  	v10 =	vor.u32 v8, v10;
	(pc) =	sbr.rel @p0 .LBB2_10-.Ltmp3, $2  }
0xfb: {  	_ =	sdelay $0x2  }
0xfc: {  	s26 =	sadd.s32 $0x4, s26;
	v11 =	vmov s25;
	[tilespmem:v12+s18+$0x0] =	vst.idx.msk $0xffff, v13  }
0xfd: {  	_ =	sdelay $0x2  }
0xfe: {  	v12 =	vand.u32 $0x78, v11;
	v9 =	vadd.s32 v5, v9  }
0xff: {  	v10 =	vld.idx.msk [tilespmem:v10+s15+$0x0], $0xffff;
	v11 =	vand.u32 $0x4, v11;
	v13 =	vor.u32 v6, v12;
	v8 =	vor.u32 v8, v9  }
0x100: {  	v9 =	vor.u32 v11, v13;
	_ =	sdelay $0x1  }
0x101: {  	s26 =	sadd.s32 $0x1, s25  }
0x102: {  	v49 =	vmov s26  }
0x103: {  	[tilespmem:v8+s18+$0x0] =	vst.idx.msk $0xffff, v10;
	v8 =	vadd.s32 v5, v12;
	v10 =	vand.u32 $0x78, v49  }
0x104: {  	v9 =	vld.idx.msk [tilespmem:v9+s15+$0x0], $0xffff;
	v8 =	vor.u32 v11, v8;
	v11 =	vand.u32 $0x5, v49;
	v50 =	vor.u32 v6, v10  }
0x105: {  	v12 =	vor.u32 v11, v50;
	_ =	sdelay $0x1  }
0x106: {  	s31 =	sadd.s32 $0x2, s25  }
0x107: {  	v51 =	vmov s31  }
0x108: {  	[tilespmem:v8+s18+$0x0] =	vst.idx.msk $0xffff, v9;
	v8 =	vadd.s32 v5, v10;
	v9 =	vand.u32 $0x78, v51  }
0x109: {  	v10 =	vld.idx.msk [tilespmem:v12+s15+$0x0], $0xffff;
	v8 =	vor.u32 v11, v8;
	v11 =	vand.u32 $0x6, v51;
	v52 =	vor.u32 v6, v9  }
0x10a: {  	v12 =	vor.u32 v11, v52;
	_ =	sdelay $0x1  }
0x10b: {  	s26 =	sadd.s32 $0x3, s25  }
0x10c: {  	v53 =	vmov s26  }
0x10d: {  	[tilespmem:v8+s18+$0x0] =	vst.idx.msk $0xffff, v10;
	v8 =	vadd.s32 v5, v9;
	v9 =	vand.u32 $0x78, v53  }
0x10e: {  	v10 =	vld.idx.msk [tilespmem:v12+s15+$0x0], $0xffff;
	v8 =	vor.u32 v11, v8;
	v11 =	vand.u32 $0x7, v53;
	v6 =	vor.u32 v6, v9  }
0x10f: {  	v54 =	vor.u32 v11, v6;
	_ =	sdelay $0x3  }
0x110: {  	v6 =	vshll.u32 v7, $0x7;
	[tilespmem:v8+s18+$0x0] =	vst.idx.msk $0xffff, v10;
	v8 =	vadd.s32 v5, v9  }
0x111: {  	s28 =	simm.s32 $0x0;
	v9 =	vld.idx.msk [tilespmem:v54+s15+$0x0], $0xffff;
	v10 =	vor.u32 v11, v8;
	v8 =	vadd.s32 v3, v6  }
0x112: {  	v11 =	vor.u32 s28, v8;
	_ =	sdelay $0x1  }
0x113: {  	v55 =	vmov s28  }
0x114: {  	v56 =	vand.u32 $0x78, v55;
	v7 =	vadd.s32 $0x80, v5  }
0x115: {  	[tilespmem:v10+s18+$0x0] =	vst.idx.msk $0xffff, v9;
	v9 =	vand.u32 $0x4, v55;
	v10 =	vadd.s32 v56, v7  }
0x116: {  	s29 =	simm.s32 $0x1;
	v11 =	vld.idx.msk [tilespmem:v11+s15+$0x0], $0xffff;
	v9 =	vor.u32 v9, v10  }
0x117: {  	v10 =	vor.u32 s29, v8;
	_ =	sdelay $0x1  }
0x118: {  	v57 =	vmov s29  }
0x119: {  	v58 =	vand.u32 $0x78, v57  }
0x11a: {  	[tilespmem:v9+s18+$0x0] =	vst.idx.msk $0xffff, v11;
	v9 =	vand.u32 $0x5, v57;
	v11 =	vadd.s32 v58, v7  }
0x11b: {  	s30 =	simm.s32 $0x2;
	v10 =	vld.idx.msk [tilespmem:v10+s15+$0x0], $0xffff;
	v9 =	vor.u32 v9, v11  }
0x11c: {  	v11 =	vor.u32 s30, v8;
	_ =	sdelay $0x1  }
0x11d: {  	v59 =	vmov s30  }
0x11e: {  	v60 =	vand.u32 $0x78, v59  }
0x11f: {  	[tilespmem:v9+s18+$0x0] =	vst.idx.msk $0xffff, v10;
	v9 =	vand.u32 $0x6, v59;
	v10 =	vadd.s32 v60, v7  }
0x120: {  	s31 =	simm.s32 $0x3;
	v11 =	vld.idx.msk [tilespmem:v11+s15+$0x0], $0xffff;
	v9 =	vor.u32 v9, v10  }
0x121: {  	v10 =	vor.u32 s31, v8;
	_ =	sdelay $0x1  }
0x122: {  	v61 =	vmov s31  }
0x123: {  	v62 =	vand.u32 $0x78, v61  }
0x124: {  	v63 =	vadd.s32 v62, v7;
	[tilespmem:v9+s18+$0x0] =	vst.idx.msk $0xffff, v11;
	v11 =	vand.u32 $0x7, v61  }
0x125: {  	s25 =	simm.s32 $0x4;
	v9 =	vld.idx.msk [tilespmem:v10+s15+$0x0], $0xffff;
	v11 =	vor.u32 v11, v63  }
0x126: {  	s26 =	simm.s32 $0x8;
	v10 =	vor.u32 s25, v8  }
.LBB2_12:
0x127: {  	p0 =	slt.u32 s26, $0x7C;
	_ =	sdelay $0x1  }
0x128: {  	v12 =	vmov s25  }
0x129: {  	v13 =	vand.u32 $0x78, v12;
	[tilespmem:v11+s18+$0x0] =	vst.idx.msk $0xffff, v9  }
0x12a: {  	v11 =	vadd.s32 v13, v7;
	v9 =	vld.idx.msk [tilespmem:v10+s15+$0x0], $0xffff;
	v10 =	vand.u32 $0x4, v12  }
0x12b: {  	s28 =	sadd.s32 $0x1, s25;
	v10 =	vor.u32 v10, v11  }
0x12c: {  	v11 =	vor.u32 s28, v8;
	_ =	sdelay $0x2  }
0x12d: {  	v12 =	vmov s28  }
0x12e: {  	[tilespmem:v10+s18+$0x0] =	vst.idx.msk $0xffff, v9;
	v9 =	vand.u32 $0x78, v12  }
0x12f: {  	v10 =	vld.idx.msk [tilespmem:v11+s15+$0x0], $0xffff;
	v11 =	vand.u32 $0x5, v12;
	v9 =	vadd.s32 v9, v7  }
0x130: {  	s28 =	sadd.s32 $0x2, s25;
	v9 =	vor.u32 v11, v9  }
0x131: {  	v11 =	vor.u32 s28, v8;
	_ =	sdelay $0x2  }
0x132: {  	v12 =	vmov s28  }
0x133: {  	[tilespmem:v9+s18+$0x0] =	vst.idx.msk $0xffff, v10;
	v9 =	vand.u32 $0x78, v12  }
0x134: {  	v10 =	vld.idx.msk [tilespmem:v11+s15+$0x0], $0xffff;
	v11 =	vand.u32 $0x6, v12;
	v9 =	vadd.s32 v9, v7  }
0x135: {  	s28 =	sadd.s32 $0x3, s25;
	s25 =	smov.u32 s26;
	v9 =	vor.u32 v11, v9  }
0x136: {  	v11 =	vor.u32 s28, v8;
	_ =	sdelay $0x2  }
.Ltmp4:
0x137: {  	v12 =	vmov s28;
	(pc) =	sbr.rel @p0 .LBB2_12-.Ltmp4, $4  }
0x138: {  	[tilespmem:v9+s18+$0x0] =	vst.idx.msk $0xffff, v10;
	v10 =	vand.u32 $0x78, v12  }
0x139: {  	v9 =	vld.idx.msk [tilespmem:v11+s15+$0x0], $0xffff;
	v11 =	vand.u32 $0x7, v12;
	v10 =	vadd.s32 v10, v7  }
0x13a: {  	v11 =	vor.u32 v11, v10  }
0x13b: {  	s26 =	sadd.s32 $0x4, s26;
	v10 =	vor.u32 s25, v8  }
0x13c: {  	_ =	sdelay $0x1  }
0x13d: {  	v12 =	vmov s25  }
0x13e: {  	v13 =	vand.u32 $0x78, v12  }
0x13f: {  	[tilespmem:v11+s18+$0x0] =	vst.idx.msk $0xffff, v9;
	v9 =	vand.u32 $0x4, v12;
	v11 =	vadd.s32 v13, v7  }
0x140: {  	s26 =	sadd.s32 $0x1, s25;
	v10 =	vld.idx.msk [tilespmem:v10+s15+$0x0], $0xffff;
	v9 =	vor.u32 v9, v11  }
0x141: {  	v11 =	vor.u32 s26, v8;
	_ =	sdelay $0x1  }
0x142: {  	v59 =	vmov s26  }
0x143: {  	v60 =	vand.u32 $0x78, v59  }
0x144: {  	[tilespmem:v9+s18+$0x0] =	vst.idx.msk $0xffff, v10;
	v9 =	vand.u32 $0x5, v59;
	v10 =	vadd.s32 v60, v7  }
0x145: {  	s31 =	sadd.s32 $0x2, s25;
	v11 =	vld.idx.msk [tilespmem:v11+s15+$0x0], $0xffff;
	v9 =	vor.u32 v9, v10  }
0x146: {  	v10 =	vor.u32 s31, v8;
	_ =	sdelay $0x1  }
0x147: {  	v61 =	vmov s31  }
0x148: {  	v62 =	vand.u32 $0x78, v61  }
0x149: {  	[tilespmem:v9+s18+$0x0] =	vst.idx.msk $0xffff, v11;
	v9 =	vand.u32 $0x6, v61;
	v11 =	vadd.s32 v62, v7  }
0x14a: {  	s26 =	sadd.s32 $0x3, s25;
	v10 =	vld.idx.msk [tilespmem:v10+s15+$0x0], $0xffff;
	v9 =	vor.u32 v9, v11  }
0x14b: {  	v8 =	vor.u32 s26, v8;
	_ =	sdelay $0x1  }
0x14c: {  	v11 =	vmov s26  }
0x14d: {  	v63 =	vand.u32 $0x78, v11  }
0x14e: {  	v7 =	vadd.s32 v63, v7;
	[tilespmem:v9+s18+$0x0] =	vst.idx.msk $0xffff, v10;
	v9 =	vand.u32 $0x7, v11  }
0x14f: {  	v6 =	vadd.s32 v4, v6;
	s28 =	simm.s32 $0x0;
	v8 =	vld.idx.msk [tilespmem:v8+s15+$0x0], $0xffff;
	v7 =	vor.u32 v9, v7  }
0x150: {  	v9 =	vor.u32 s28, v6;
	_ =	sdelay $0x1  }
0x151: {  	v10 =	vmov s28  }
0x152: {  	v5 =	vadd.s32 $0x100, v5;
	v11 =	vand.u32 $0x38, v10  }
0x153: {  	[tilespmem:v7+s18+$0x0] =	vst.idx.msk $0xffff, v8;
	v7 =	vand.u32 $0x4, v10;
	v8 =	vadd.s32 v11, v5  }
0x154: {  	s29 =	simm.s32 $0x1;
	v9 =	vld.idx.msk [tilespmem:v9+s15+$0x0], $0xffff;
	v7 =	vor.u32 v7, v8  }
0x155: {  	v8 =	vor.u32 s29, v6;
	_ =	sdelay $0x1  }
0x156: {  	v10 =	vmov s29  }
0x157: {  	v11 =	vand.u32 $0x38, v10  }
0x158: {  	[tilespmem:v7+s18+$0x0] =	vst.idx.msk $0xffff, v9;
	v7 =	vand.u32 $0x5, v10;
	v9 =	vadd.s32 v11, v5  }
0x159: {  	s30 =	simm.s32 $0x2;
	v8 =	vld.idx.msk [tilespmem:v8+s15+$0x0], $0xffff;
	v7 =	vor.u32 v7, v9  }
0x15a: {  	v9 =	vor.u32 s30, v6;
	_ =	sdelay $0x1  }
0x15b: {  	v10 =	vmov s30  }
0x15c: {  	v11 =	vand.u32 $0x38, v10  }
0x15d: {  	[tilespmem:v7+s18+$0x0] =	vst.idx.msk $0xffff, v8;
	v7 =	vand.u32 $0x6, v10;
	v8 =	vadd.s32 v11, v5  }
0x15e: {  	s31 =	simm.s32 $0x3;
	v9 =	vld.idx.msk [tilespmem:v9+s15+$0x0], $0xffff;
	v7 =	vor.u32 v7, v8  }
0x15f: {  	v8 =	vor.u32 s31, v6;
	_ =	sdelay $0x1  }
0x160: {  	v10 =	vmov s31  }
0x161: {  	v11 =	vand.u32 $0x38, v10  }
0x162: {  	[tilespmem:v7+s18+$0x0] =	vst.idx.msk $0xffff, v9;
	v9 =	vand.u32 $0x7, v10;
	v10 =	vadd.s32 v11, v5  }
0x163: {  	s25 =	simm.s32 $0x4;
	v7 =	vld.idx.msk [tilespmem:v8+s15+$0x0], $0xffff;
	v9 =	vor.u32 v9, v10  }
0x164: {  	s26 =	simm.s32 $0x8;
	v8 =	vor.u32 s25, v6  }
.LBB2_14:
0x165: {  	p0 =	slt.u32 s26, $0x28;
	_ =	sdelay $0x1  }
0x166: {  	v10 =	vmov s25  }
0x167: {  	v11 =	vand.u32 $0x38, v10;
	[tilespmem:v9+s18+$0x0] =	vst.idx.msk $0xffff, v7  }
0x168: {  	v9 =	vadd.s32 v11, v5;
	v7 =	vld.idx.msk [tilespmem:v8+s15+$0x0], $0xffff;
	v8 =	vand.u32 $0x4, v10  }
0x169: {  	s28 =	sadd.s32 $0x1, s25;
	v8 =	vor.u32 v8, v9  }
0x16a: {  	v9 =	vor.u32 s28, v6;
	_ =	sdelay $0x2  }
0x16b: {  	v10 =	vmov s28  }
0x16c: {  	[tilespmem:v8+s18+$0x0] =	vst.idx.msk $0xffff, v7;
	v7 =	vand.u32 $0x38, v10  }
0x16d: {  	v8 =	vld.idx.msk [tilespmem:v9+s15+$0x0], $0xffff;
	v9 =	vand.u32 $0x5, v10;
	v7 =	vadd.s32 v7, v5  }
0x16e: {  	s28 =	sadd.s32 $0x2, s25;
	v7 =	vor.u32 v9, v7  }
0x16f: {  	v9 =	vor.u32 s28, v6;
	_ =	sdelay $0x2  }
0x170: {  	v10 =	vmov s28  }
0x171: {  	[tilespmem:v7+s18+$0x0] =	vst.idx.msk $0xffff, v8;
	v7 =	vand.u32 $0x38, v10  }
0x172: {  	v8 =	vld.idx.msk [tilespmem:v9+s15+$0x0], $0xffff;
	v9 =	vand.u32 $0x6, v10;
	v7 =	vadd.s32 v7, v5  }
0x173: {  	s28 =	sadd.s32 $0x3, s25;
	s25 =	smov.u32 s26;
	v7 =	vor.u32 v9, v7  }
0x174: {  	v9 =	vor.u32 s28, v6;
	_ =	sdelay $0x2  }
.Ltmp5:
0x175: {  	v10 =	vmov s28;
	(pc) =	sbr.rel @p0 .LBB2_14-.Ltmp5, $4  }
0x176: {  	[tilespmem:v7+s18+$0x0] =	vst.idx.msk $0xffff, v8;
	v8 =	vand.u32 $0x38, v10  }
0x177: {  	v7 =	vld.idx.msk [tilespmem:v9+s15+$0x0], $0xffff;
	v9 =	vand.u32 $0x7, v10;
	v8 =	vadd.s32 v8, v5  }
0x178: {  	v9 =	vor.u32 v9, v8  }
0x179: {  	s26 =	sadd.s32 $0x4, s26;
	v8 =	vor.u32 s25, v6  }
0x17a: {  	_ =	sdelay $0x1  }
0x17b: {  	v10 =	vmov s25  }
0x17c: {  	v11 =	vand.u32 $0x38, v10  }
0x17d: {  	[tilespmem:v9+s18+$0x0] =	vst.idx.msk $0xffff, v7;
	v7 =	vand.u32 $0x4, v10;
	v53 =	vadd.s32 v11, v5  }
0x17e: {  	s26 =	sadd.s32 $0x1, s25;
	v8 =	vld.idx.msk [tilespmem:v8+s15+$0x0], $0xffff;
	v7 =	vor.u32 v7, v53  }
0x17f: {  	v54 =	vor.u32 s26, v6;
	_ =	sdelay $0x1  }
0x180: {  	v55 =	vmov s26  }
0x181: {  	v56 =	vand.u32 $0x38, v55  }
0x182: {  	v57 =	vadd.s32 v56, v5;
	[tilespmem:v7+s18+$0x0] =	vst.idx.msk $0xffff, v8;
	v7 =	vand.u32 $0x5, v55  }
0x183: {  	s30 =	sadd.s32 $0x2, s25;
	v9 =	vld.idx.msk [tilespmem:v54+s15+$0x0], $0xffff;
	v7 =	vor.u32 v7, v57  }
0x184: {  	v58 =	vor.u32 s30, v6;
	_ =	sdelay $0x1  }
0x185: {  	v59 =	vmov s30  }
0x186: {  	v60 =	vand.u32 $0x38, v59  }
0x187: {  	v61 =	vadd.s32 v60, v5;
	[tilespmem:v7+s18+$0x0] =	vst.idx.msk $0xffff, v9;
	v7 =	vand.u32 $0x6, v59  }
0x188: {  	s31 =	sadd.s32 $0x3, s25;
	v8 =	vld.idx.msk [tilespmem:v58+s15+$0x0], $0xffff;
	v7 =	vor.u32 v7, v61  }
0x189: {  	v6 =	vor.u32 s31, v6;
	_ =	sdelay $0x1  }
0x18a: {  	v62 =	vmov s31  }
0x18b: {  	v63 =	vand.u32 $0x38, v62  }
0x18c: {  	s24 =	sadd.s32 $0x1, s24;
	v5 =	vadd.s32 v63, v5;
	[tilespmem:v7+s18+$0x0] =	vst.idx.msk $0xffff, v8;
	v7 =	vand.u32 $0x7, v62  }
0x18d: {  	p0 =	sne.s32 s24, $0x5;
	v6 =	vld.idx.msk [tilespmem:v6+s15+$0x0], $0xffff;
	v5 =	vor.u32 v7, v5  }
.Ltmp6:
0x18e: {  	_ = 	snop;
	(pc) =	sbr.rel @p0 .LBB2_9-.Ltmp6, $2  }
0x18f: {  	_ =	sdelay $0x2  }
0x190: {  	[tilespmem:v5+s18+$0x0] =	vst.idx.msk $0xffff, v6  }
0x191: {  	s22 =	sadd.s32 s3, s22  }
0x192: {  	s21 =	sadd.s32 $0x1, s21;
	s22 =	smul.u32 $0x2E, s22  }
0x193: {  	p0 =	sne.s32 s21, $0x14  }
.Ltmp7:
0x194: {  	s22 =	sadd.s32 s2, s22;
	(pc) =	sbr.rel @p0 .LBB2_4-.Ltmp7, $4  }
0x195: {  	[hbm4b:s22+s4] =	stream.linear.scatter [tilespmem:s18], [sflag:$0x2], $0x7300, $0x38;
	[tilespmem:$0x18800] =	vst v63  }
0x196: {  	_ =	swait.ge [sflag:s11], $0x7300  }
0x197: {  	[sflag:s11] =	ssyncset.done $0x0  }
0x198: {  	[sflag:s11] =	ssyncadd.s32 $0xFFFF8D00  }
0x199: {  	s20 =	sadd.s32 $0x1, s20  }
0x19a: {  	p0 =	sne.s32 s20, s9  }
.Ltmp8:
0x19b: {  	_ = 	snop;
	(pc) =	sbr.rel @p0 .LBB2_1-.Ltmp8, $1  }
0x19c: {  	_ =	sdelay $0x3  }
0x19d: {  	_ =	sfence.sel $0x180000  }
0x19e: {  	[bflag:$0x0] =	sbarrier.arrive $0xFFFF  }
0x19f: {  	p0 =	sne.s32 s0, $0x0;
	_ =	strace $0x9000004A  }
0x1a0: {  	s0 =	sadd.s32 @!p0 $0x100000, s1;
	[bflag:$0x2] =	sbarrier.arrive $0xFFFF  }
0x1a1: {  	[sflag:s0] =	ssyncadd.tile.s32 @!p0 $0x1;
	_ =	shalt  }
.Lfunc_end2:
_tile_overlayer_lowered:
.L_overlay_start_2:
0x1a2: {  	(tag) =	ssettag $0x2  }
0x1a3: {  	s0 =	rddreg [dreg:$0x0];
	s2 =	stileid.u32  }
0x1a4: {  	s1 =	rddreg [dreg:$0x1];
	p0 =	sne.s32 s2, $0x0  }
0x1a5: {  	s3 =	rddreg [dreg:$0x2];
	[bflag:$0x3] =	sbarrier.arrive $0xFFFF;
	s2 =	simm.s32 @!p0 $0x1C02  }
0x1a6: {  	[timem:s3], [sflag:s2] =	dma.local @!p0 [hbm:s0], s1  }
0x1a7: {  	s0 =	simm.s32 @!p0 $0x2  }
0x1a8: {  	_ =	swait.ge @!p0 [sflag:s0], s1  }
0x1a9: {  	s1 =	ssub.s32 @!p0 $0x0, s1;
	[sflag:s0] =	ssyncset.done @!p0 $0x0  }
0x1aa: {  	[sflag:s0] =	ssyncadd.s32 @!p0 s1  }
0x1ab: {  	[bflag:$0x3] =	sbarrier.arrive $0xFFFF  }
0x1ac: {  	_ =	shalt  }

// kernel: sparse-core-data-format-call.1.cloned.1.call-start
scs
called_computation.1_lowered:
.L_overlay_start_0:
0x0: {  	s2 =	sld [smem:$0x3FD9]  }
0x1: {  	s3 =	sld [smem:$0x3FFE];
	_ =	sdelay $0x1  }
0x2: {  	s1 =	srdreg.scid  }
0x3: {  	s0 =	sand.u32 $0x1, s1  }
0x4: {  	s18 =	sshll.u32 s0, $0xA;
	s2 =	sadd.s32 s3, s2  }
0x5: {  	s2 =	sadd.s32 s2, s18  }
0x6: {  	[smem:$0x3FC4] =	sst s2  }
0x7: {  	_ = 	snop  }
0x8: {  	s2 =	sld [smem:$0x3FC7];
	(tm) =	ssettm $0x1  }
0x9: {  	s19 =	sld [smem:$0x3FFB];
	_ =	sdelay $0x3  }
0xa: {  	_ =	strace s19  }
0xb: {  	s3 =	sld [smem:$0x3FFC];
	_ =	sdelay $0x3  }
0xc: {  	_ =	strace s3  }
0xd: {  	s3 =	sld [smem:$0x3FFD];
	_ =	sdelay $0x3  }
0xe: {  	_ =	strace s3  }
0xf: {  	_ =	strace $0x8FFFFFFF  }
0x10: {  	s20 =	sld [smem:$0x3FDB];
	_ =	sdelay $0x1  }
0x11: {  	s4 =	simm.s32 $_scs_section_size  }
0x12: {  	s5 =	simm.s32 $_size__tile_overlayer_lowered;
	s6 =	simm.s32 $_tile_overlayer_lowered  }
0x13: {  	s23 =	simm.s32 $0x1BFF;
	s22 =	sshll.u32 s6, $0x1;
	s3 =	sadd.s32 s4, s20  }
0x14: {  	s7 =	simm.s32 $0x0;
	s21 =	sshll.u32 s5, $0x1;
	s5 =	sadd.s32 s22, s3  }
0x15: {  	[timem:s7], [sflag:s23] =	dma.local [hbm:s5], s21  }
0x16: {  	_ =	swait.ge [sflag:s23], s21  }
0x17: {  	s4 =	ssub.s32 $0x0, s21;
	[sflag:s23] =	ssyncset.done $0x0  }
0x18: {  	[sflag:s23] =	ssyncadd.s32 s4;
	_ =	sdelay $0x1  }
0x19: {  	s24 =	simm.s32 $0x1B8B  }
0x1a: {  	_ =	swait.ge [sflag:s24], $0x1  }
0x1b: {  	[sflag:s24] =	ssyncset.done $0x0  }
0x1c: {  	s26 =	simm.s32 $0x1B8E;
	s25 =	sld [smem:$0x3FFE];
	[sflag:s24] =	ssyncadd.s32 $0xFFFFFFFF  }
0x1d: {  	s27 =	simm.s32 $execute0_lowered;
	[smem:$0x3FD2] =	sst s26  }
0x1e: {  	s5 =	sshll.u32 s27, $0x1;
	_ =	strace $0x80000046;
	[dreg:$0x1] =	wrdreg $0xFFFFFFFF  }
0x1f: {  	s28 =	simm.s32 $_size_execute0_lowered;
	s3 =	sadd.s32 s3, s5;
	[dreg:$0x0] =	wrdreg $0x0  }
0x20: {  	s5 =	sshll.u32 s28, $0x1;
	[dreg:$0x2] =	wrdreg s3  }
0x21: {  	[dreg:$0x3] =	wrdreg s5  }
0x22: {  	[dreg:$0x4] =	wrdreg $0xC0  }
0x23: {  	_ =	task [dreg:s7], $0x5FFFF  }
0x24: {  	[dreg:$0x1] =	wrdreg $0xFFFFFFFF  }
0x25: {  	[dreg:$0x0] =	wrdreg $0x60  }
0x26: {  	[dreg:$0x2] =	wrdreg s2  }
0x27: {  	[dreg:$0x3] =	wrdreg s25  }
0x28: {  	[dreg:$0x4] =	wrdreg $0x9  }
0x29: {  	_ =	task.clear_ibuf [dreg:s7], $0x5FFFF;
	_ =	strace $0x90000046  }
0x2a: {  	s29 =	simm.s32 $0x9;
	_ =	strace $0x80000048  }
0x2b: {  	_ =	swait.ge [sflag:s29], $0x1  }
0x2c: {  	[sflag:s29] =	ssyncadd.s32 $0xFFFFFFFF  }
0x2d: {  	_ =	strace $0x90000048  }
0x2e: {  	_ =	sfence  }
0x2f: {  	s30 =	sld [smem:$0x0];
	_ =	sdelay $0x2  }
0x30: {  	s31 =	sshll.u32 s1, $0xD;
	s1 =	sshrl.u32 s1, $0x2  }
0x31: {  	s3 =	sand.u32 $0x4000, s31;
	s1 =	sadd.s32 s1, s30  }
0x32: {  	s0 =	sor.u32 s3, s0;
	s1 =	sshll.u32 s1, $0x11  }
0x33: {  	s0 =	sor.u32 s1, s0  }
0x34: {  	s0 =	sadd.s32 $0x8F2B, s0  }
0x35: {  	[sflag:s0] =	ssyncadd.remote.s32 $0x1  }
0x36: {  	_ =	sfence.sel $0xFFFF  }
0x37: {  	[dreg:$0x0] =	wrdreg $0xFFFFFFFF;
	(pc) =	sbr.abs _section_cstart, $3  }
0x38: {  	[dreg:$0x1] =	wrdreg $0xFFFFFFFF  }
0x39: {  	_ =	task.clear_ibuf [dreg:s7], $0x2FFFF;
	_ =	strace $0x9FFFFFFF  }
0x3a: {  	(tm) =	ssettm $0x7FFFFFFF  }
0x3b: {  	_ =	shalt  }
tec
execute0_lowered:
.L_overlay_start_1:
0x0: {  	(tag) =	ssettag $0x1  }
0x1: {  	s0 =	srdreg.scid  }
0x2: {  	s0 =	sshll.u32 s0, $0x4  }
0x3: {  	s1 =	stileid.u32;
	s0 =	sand.u32 $0x10, s0  }
0x4: {  	s0 =	sor.u32 s1, s0  }
0x5: {  	s10 =	sshll.u32 s0, $0x7  }
0x6: {  	s29 =	rddreg [dreg:$0x1];
	s0 =	ssub.s32 $0x18680, s10  }
0x7: {  	_ =	strace $0x80000047;
	s2 =	simm.s32 $0x1;
	s0 =	sshrl.u32 s0, $0xC  }
0x8: {  	s30 =	simm.s32 $0x2;
	s14 =	simm.s32 $0x0;
	s0 =	smul.u32 $0x3, s0  }
.Ltmp0:
0x9: {  	s9 =	simm.s32 $0x0;
	s1 =	sadd.s32 $0x1200, s29;
	(pc) =	sbr.rel .LBB1_1-.Ltmp0, $4  }
0xa: {  	s8 =	simm.s32 $0x0;
	s11 =	simm.s32 $0x0;
	[dreg:$0x4] =	wrdreg s1  }
0xb: {  	s12 =	simm.s32 $0x0;
	[dreg:$0x3] =	wrdreg s10;
	s31 =	sadd.s32 $0x3, s0  }
0xc: {  	[sflag:s2] =	ssyncpa.u1 $0x0;
	s7 =	sadd.s32 $0x4, s0;
	[dreg:$0x5] =	wrdreg s31  }
0xd: {  	s13 =	simm.s32 $0x0;
	[sflag:s30] =	ssyncpa.u1 $0x0;
	[dreg:$0x6] =	wrdreg s7  }
.LBB1_12:
0xe: {  	s8 =	rddreg [dreg:$0x7];
	s1 =	sshll.u32 s11, $0x3  }
0xf: {  	s26 =	sand.u32 $0x7F, s11;
	s5 =	rddreg [dreg:$0xb];
	s0 =	sshrl.u32 s8, $0x3  }
0x10: {  	s4 =	smov.u32 s11;
	s6 =	rddreg [dreg:$0xa];
	s0 =	smul.u32 $0xC00, s0  }
0x11: {  	s30 =	rddreg [dreg:$0x4];
	s1 =	sand.u32 $0xFFFFFC00, s1;
	s2 =	sshll.u32 s8, $0x7  }
0x12: {  	s31 =	simm.s32 $0xC00;
	s25 =	sand.u32 $0x380, s2;
	s0 =	sadd.s32 s1, s0  }
0x13: {  	p0 =	sgt.s32 s8, $0x18620;
	s2 =	smov.u32 s8;
	s0 =	sor.u32 s25, s0  }
0x14: {  	s2 =	simm.s32 @!p0 $0x18620;
	s1 =	sor.u32 s26, s0;
	s0 =	smulhi.u32 $0xAAAAAAAB, s0  }
0x15: {  	s7 =	rddreg [dreg:$0x6];
	p0 =	sgt.s32 s11, $0x100;
	s2 =	sadd.s32 s5, s2  }
0x16: {  	s4 =	simm.s32 @!p0 $0x100;
	s3 =	smulhi.u32 $0xAAAAAAAB, s1;
	s0 =	sshrl.u32 s0, $0x8  }
0x17: {  	s4 =	sadd.s32 s6, s4;
	s28 =	sadd.s32 $0xFFFE79E0, s2;
	s27 =	smulhi.u32 $0x14F8B59, s0  }
0x18: {  	s2 =	ssub.s32 $0x186A0, s2;
	p0 =	sgt.s32 s28, $0x7F;
	s3 =	sshrl.u32 s3, $0x8  }
0x19: {  	s29 =	sadd.s32 $0xFFFFFF00, s4;
	s3 =	smul.u32 $0x180, s3;
	s5 =	sshrl.u32 s27, $0x9  }
0x1a: {  	s4 =	ssub.s32 $0x180, s4;
	p1 =	sgt.s32 s29, $0x7F;
	s5 =	smul.u32 $0x186A0, s5  }
0x1b: {  	s9 =	rddreg [dreg:$0x8];
	s2 =	simm.s32 @p0 $0x0;
	s4 =	simm.s32 @p1 $0x0  }
0x1c: {  	s2 =	smul.u32 s4, s2;
	s1 =	ssub.s32 s1, s3;
	s0 =	ssub.s32 s0, s5  }
0x1d: {  	s3 =	sshrl.u32 s1, $0x3;
	s1 =	sand.u32 $0x7, s1;
	s0 =	smul.u32 $0x30, s0  }
0x1e: {  	s14 =	rddreg [dreg:$0x9];
	s3 =	sadd.s32 s30, s3;
	s1 =	sshll.u32 s1, $0x12  }
0x1f: {  	s2 =	sand.u32 $0x3FFFFFFF, s2;
	s1 =	sor.u32 $0x400, s1;
	s0 =	sadd.s32 s0, s3  }
0x20: {  	[hbm4b:s0+s1] =	stream.strided.scatter [tilespmem:s17], [sflag:$0x2], s2, s31, s1, $0x20;
	[tilespmem:$0x10100] =	vst v63  }
.LBB1_13:
0x21: {  	p0 =	slt.u32 s13, $0x2  }
0x22: {  	s1 =	smov.u32 s14;
	s2 =	smov.u32 s9;
	p1 =	sgt.s32 @!p0 s14, $0x18620  }
0x23: {  	s0 =	sshra.s32 @!p0 s14, $0x1F;
	p2 =	sgt.s32 @!p0 s9, $0x100;
	s3 =	sshra.s32 @!p0 s9, $0x1F  }
0x24: {  	p1 =	por !p1, p0;
	s0 =	sand.u32 @!p0 s0, s14;
	p2 =	por !p2, p0  }
0x25: {  	s3 =	sand.u32 @!p0 s3, s9;
	s1 =	simm.s32 @p1 $0x18620;
	s2 =	simm.s32 @p2 $0x100  }
0x26: {  	s0 =	ssub.s32 @!p0 s1, s0;
	s1 =	ssub.s32 @!p0 s2, s3  }
0x27: {  	s2 =	sadd.s32 @!p0 $0xFFFE79E0, s0;
	s3 =	sadd.s32 @!p0 $0xFFFFFF00, s1  }
0x28: {  	s0 =	ssub.s32 @!p0 $0x186A0, s0;
	p1 =	sgt.s32 @!p0 s2, $0x7F;
	p2 =	sgt.s32 @!p0 s3, $0x7F  }
0x29: {  	s1 =	ssub.s32 @!p0 $0x180, s1;
	p1 =	por !p1, p0;
	p2 =	por !p2, p0  }
0x2a: {  	s0 =	simm.s32 @!p1 $0x0;
	s1 =	simm.s32 @!p2 $0x0  }
0x2b: {  	s0 =	smul.u32 @!p0 s1, s0  }
0x2c: {  	s4 =	smov.u32 s12  }
0x2d: {  	s2 =	simm.s32 @!p0 $0x2;
	s1 =	sadd.s32 $0x1000, s10;
	s0 =	sand.u32 @!p0 $0x3FFFFFFF, s0  }
0x2e: {  	s3 =	sadd.s32 $0x80, s12;
	p1 =	sgt.s32 s1, $0x1869F;
	_ =	swait.ge @!p0 [sflag:s2], s0  }
0x2f: {  	s4 =	smov.u32 @p1 s3;
	s3 =	rddreg [dreg:$0x3]  }
0x30: {  	s1 =	smov.u32 @p1 s3;
	p1 =	sgt.s32 s4, $0x12B  }
0x31: {  	s4 =	simm.s32 @p1 $0x0;
	p1 =	sne.s32 s13, s7  }
.Ltmp1:
0x32: {  	_ = 	snop;
	(pc) =	sbr.rel @!p1 .LBB1_14-.Ltmp1, $4  }
0x33: {  	s14 =	smov.u32 s8  }
0x34: {  	s9 =	smov.u32 s11;
	s0 =	ssub.s32 @!p0 $0x0, s0;
	[sflag:s2] =	ssyncset.done @!p0 $0x0  }
0x35: {  	s8 =	smov.u32 s10;
	s11 =	smov.u32 s12;
	[sflag:s2] =	ssyncadd.s32 @!p0 s0  }
0x36: {  	s13 =	sadd.s32 $0x1, s13;
	s10 =	smov.u32 s1;
	s12 =	smov.u32 s4  }
.LBB1_1:
0x37: {  	s0 =	rddreg [dreg:$0x5]  }
0x38: {  	p0 =	sge.u32 s13, s0  }
0x39: {  	s0 =	sshrl.u32 @!p0 s12, $0x3  }
0x3a: {  	s1 =	sshll.u32 @!p0 s10, $0x3;
	s0 =	smul.u32 @!p0 $0xC3800, s0  }
0x3b: {  	s5 =	smov.u32 s10;
	s2 =	sshll.u32 @!p0 s12, $0x7;
	s1 =	sand.u32 @!p0 $0xFFFFFC00, s1  }
0x3c: {  	s3 =	sand.u32 @!p0 $0x7F, s10;
	s0 =	sadd.s32 @!p0 s0, s1;
	s1 =	sand.u32 @!p0 $0x380, s2  }
0x3d: {  	p1 =	sgt.s32 @!p0 s12, $0xB0;
	s4 =	sshra.s32 @!p0 s12, $0x1F;
	s0 =	sor.u32 @!p0 s1, s0  }
0x3e: {  	s6 =	sshra.s32 @!p0 s10, $0x1F;
	p1 =	por !p1, p0;
	s1 =	smulhi.u32 @!p0 $0xA79C7B17, s0  }
0x3f: {  	s4 =	sand.u32 @!p0 s4, s12;
	s0 =	sor.u32 @!p0 s3, s0;
	s3 =	smov.u32 s12  }
0x40: {  	s3 =	simm.s32 @p1 $0xB0;
	p1 =	sgt.s32 @!p0 s10, $0x18680;
	s1 =	sshrl.u32 @!p0 s1, $0x10  }
0x41: {  	p1 =	por !p1, p0;
	s3 =	ssub.s32 @!p0 s3, s4;
	s2 =	smul.u32 @!p0 $0xD795, s1  }
0x42: {  	s4 =	sand.u32 @!p0 s6, s10;
	s6 =	smulhi.u32 @!p0 $0xA79C7B17, s0;
	s5 =	simm.s32 @p1 $0x18680  }
0x43: {  	s4 =	ssub.s32 @!p0 s5, s4;
	s5 =	sadd.s32 @!p0 $0xFFFFFF50, s3;
	s2 =	sshrl.u32 @!p0 s2, $0x18  }
0x44: {  	p1 =	sgt.s32 @!p0 s5, $0x7F;
	s5 =	sshrl.u32 @!p0 s6, $0x10;
	s2 =	smul.u32 @!p0 $0x130, s2  }
0x45: {  	s3 =	ssub.s32 @!p0 $0x130, s3;
	s5 =	smul.u32 @!p0 $0x18700, s5  }
0x46: {  	p1 =	por !p1, p0;
	s1 =	ssub.s32 @!p0 s1, s2;
	s2 =	sadd.s32 @!p0 $0xFFFE7980, s4  }
0x47: {  	s3 =	simm.s32 @!p1 $0x0;
	s4 =	ssub.s32 @!p0 $0x18700, s4;
	p2 =	sgt.s32 @!p0 s2, $0x7F  }
0x48: {  	s0 =	ssub.s32 @!p0 s0, s5;
	s1 =	sand.u32 @!p0 $0xFFFF, s1;
	p2 =	por !p2, p0  }
0x49: {  	s2 =	sxor.u32 @!p0 $0xFFFFFFFF, s13;
	s1 =	smul.u32 @!p0 $0x30E0, s1;
	s4 =	simm.s32 @!p2 $0x0  }
0x4a: {  	s5 =	rddreg [dreg:$0x0];
	s2 =	sshll.u32 @!p0 s2, $0xE;
	s3 =	smul.u32 @!p0 s3, s4  }
0x4b: {  	s2 =	sand.u32 @!p0 $0x4000, s2;
	s4 =	sshrl.u32 @!p0 s0, $0x3;
	s0 =	sand.u32 @!p0 $0x7, s0  }
0x4c: {  	s4 =	sadd.s32 @!p0 s5, s4;
	s0 =	sshll.u32 @!p0 s0, $0x12;
	s3 =	sand.u32 @!p0 $0x3FFFFFFF, s3  }
0x4d: {  	s1 =	sadd.s32 @!p0 s1, s4;
	s0 =	sor.u32 @!p0 $0x400, s0;
	s4 =	simm.s32 @!p0 $0xC3800  }
0x4e: {  	[tilespmem:s2], [sflag:$0x1] =	stream.strided.gather @!p0 [hbm4b:s1+s0], s3, s4, s0, $0x38;
	[tilespmem:$0x10100] =	vst v63  }
0x4f: {  	p0 =	seq.s32 s13, $0x0  }
0x50: {  	p1 =	sge.u32 @!p0 s13, s7  }
0x51: {  	p0 =	por p0, p1  }
.Ltmp2:
0x52: {  	_ = 	snop;
	(pc) =	sbr.rel @p0 .LBB1_13-.Ltmp2, $1  }
0x53: {  	_ =	sdelay $0x3  }
0x54: {  	s0 =	ssub.s32 $0x0, s11;
	s1 =	sshra.s32 s11, $0x1F;
	p0 =	sgt.s32 s11, $0xB0  }
0x55: {  	s2 =	smov.u32 s11;
	s25 =	ssub.s32 $0x0, s8;
	s26 =	sshra.s32 s8, $0x1F  }
0x56: {  	s3 =	smov.u32 s8;
	s2 =	simm.s32 @!p0 $0xB0;
	p0 =	sgt.s32 s8, $0x18680  }
0x57: {  	s4 =	sand.u32 s0, s1;
	s1 =	sand.u32 s25, s26;
	s3 =	simm.s32 @!p0 $0x18680  }
0x58: {  	s2 =	sadd.s32 s4, s2;
	[dreg:$0xb] =	wrdreg s1;
	s1 =	sadd.s32 s1, s3  }
0x59: {  	s27 =	sadd.s32 $0xFFFFFF50, s2;
	s2 =	ssub.s32 $0x130, s2;
	s28 =	sadd.s32 $0xFFFE7980, s1  }
0x5a: {  	p0 =	sgt.s32 s27, $0x7F;
	s0 =	ssub.s32 $0x18700, s1;
	p1 =	sgt.s32 s28, $0x7F  }
0x5b: {  	s2 =	simm.s32 @p0 $0x0;
	s0 =	simm.s32 @p1 $0x0  }
0x5c: {  	s29 =	smul.u32 s2, s0;
	s2 =	sadd.s32 $0x80, s11  }
0x5d: {  	p0 =	slt.s32 s2, $0x12C  }
0x5e: {  	s2 =	simm.s32 @!p0 $0x12C  }
0x5f: {  	[dreg:$0x9] =	wrdreg s14;
	s19 =	ssub.s32 s2, s11  }
0x60: {  	[dreg:$0x8] =	wrdreg s9;
	p0 =	slt.s32 s19, $0x1  }
.Ltmp3:
0x61: {  	[dreg:$0x7] =	wrdreg s8;
	s30 =	simm.s32 $0x1;
	(pc) =	sbr.rel @p0 .LBB1_12-.Ltmp3, $4  }
0x62: {  	[dreg:$0xa] =	wrdreg s4;
	s0 =	sand.u32 $0x1, s13;
	s1 =	sand.u32 $0x3FFFFFFF, s29  }
0x63: {  	s31 =	smul.u32 $0x4080, s0;
	_ =	swait.ge [sflag:s30], s1  }
0x64: {  	s1 =	ssub.s32 $0x0, s1;
	[sflag:s30] =	ssyncset.done $0x0  }
0x65: {  	s17 =	sor.u32 $0x8000, s31;
	[sflag:s30] =	ssyncadd.s32 s1  }
0x66: {  	s2 =	rddreg [dreg:$0x7]  }
0x67: {  	s1 =	sadd.s32 $0x80, s2  }
0x68: {  	p0 =	slt.s32 s1, $0x186A0  }
.Ltmp4:
0x69: {  	s1 =	simm.s32 @!p0 $0x186A0;
	(pc) =	sbr.rel .LBB1_4-.Ltmp4, $4  }
0x6a: {  	s22 =	sshll.u32 s0, $0xE;
	s1 =	ssub.s32 s1, s2  }
0x6b: {  	s24 =	simm.s32 $0x0;
	s25 =	simm.s32 $0x400;
	s1 =	sadd.s32 $0xF, s1  }
0x6c: {  	s20 =	sand.u32 $0xFFFFFFF0, s1;
	s21 =	sand.u32 $0xFFFFFF00, s1;
	s31 =	sshll.u32 s1, $0x3  }
0x6d: {  	p0 =	slt.s32 s1, $0x100;
	s23 =	sand.u32 $0xFFFFF800, s31;
	p1 =	sge.s32 s21, s20  }
.LBB1_11:
0x6e: {  	s24 =	sadd.s32 $0x1, s24  }
0x6f: {  	p2 =	sne.s32 s24, s19  }
.Ltmp5:
0x70: {  	_ = 	snop;
	(pc) =	sbr.rel @!p2 .LBB1_12-.Ltmp5, $2  }
0x71: {  	_ =	sdelay $0x2  }
0x72: {  	s25 =	sadd.s32 $0x80, s25  }
.LBB1_4:
.Ltmp6:
0x73: {  	(pc) =	sbr.rel @p0 .LBB1_8-.Ltmp6, $2  }
0x74: {  	_ =	sdelay $0x2  }
0x75: {  	s26 =	sshll.u32 s24, $0x7;
	s27 =	sand.u32 $0x7F, s24  }
0x76: {  	s0 =	sshll.u32 s24, $0x3  }
0x77: {  	s5 =	sand.u32 $0x380, s26;
	s3 =	sshrl.u32 s0, $0x7  }
0x78: {  	s2 =	sadd.s32 $0x800, s0;
	s6 =	sadd.s32 $0x1000, s0;
	s18 =	sadd.s32 s5, s22  }
0x79: {  	s9 =	sadd.s32 $0x1800, s0;
	s16 =	sadd.s32 $0x2800, s0;
	s7 =	sadd.s32 $0x3000, s0  }
0x7a: {  	s0 =	sadd.s32 $0x3800, s0;
	s1 =	sand.u32 $0x78, s3;
	s2 =	sshrl.u32 s2, $0x7  }
0x7b: {  	s8 =	sshrl.u32 s6, $0x7;
	s6 =	sshrl.u32 s9, $0x7;
	s9 =	sshrl.u32 s0, $0x7  }
0x7c: {  	v0 =	vmov s18;
	s18 =	sand.u32 $0x3C00, s25;
	s4 =	smul.u32 $0x204, s1;
	s2 =	sand.u32 $0x78, s2  }
0x7d: {  	s5 =	sand.u32 $0x78, s8;
	s14 =	sand.u32 $0x78, s6;
	s2 =	smul.u32 $0x204, s2  }
0x7e: {  	s1 =	sxor.u32 $0x40, s1;
	s8 =	sshrl.u32 s7, $0x7;
	s5 =	smul.u32 $0x204, s5  }
0x7f: {  	s7 =	sadd.s32 $0x30, s3;
	s1 =	smul.u32 $0x204, s1;
	s4 =	sshrl.u32 s4, $0x2  }
0x80: {  	s4 =	sadd.s32 s4, s17;
	s2 =	sshrl.u32 s2, $0x2;
	s15 =	sshrl.u32 s5, $0x2  }
0x81: {  	s5 =	sshrl.u32 s16, $0x7;
	s1 =	sshrl.u32 s1, $0x2;
	s16 =	sadd.s32 $0x20, s3  }
0x82: {  	s2 =	sadd.s32 s2, s17;
	s28 =	sadd.s32 s27, s4;
	s4 =	sadd.s32 s15, s17  }
0x83: {  	s6 =	sadd.s32 s1, s17;
	s29 =	sadd.s32 s27, s2;
	s2 =	smul.u32 $0x204, s14  }
0x84: {  	s15 =	sadd.s32 $0x10, s3;
	s30 =	sadd.s32 s27, s4;
	s4 =	sand.u32 $0x78, s5  }
0x85: {  	s5 =	sand.u32 $0x78, s15;
	s4 =	smul.u32 $0x204, s4;
	s2 =	sshrl.u32 s2, $0x2  }
0x86: {  	s31 =	sadd.s32 s27, s6;
	s5 =	smul.u32 $0x204, s5;
	s2 =	sadd.s32 s2, s17  }
0x87: {  	s4 =	sshrl.u32 s4, $0x2;
	s1 =	sadd.s32 s27, s2;
	s2 =	sand.u32 $0x78, s8  }
0x88: {  	s14 =	sand.u32 $0x78, s9;
	s4 =	sadd.s32 s4, s17;
	s2 =	smul.u32 $0x204, s2  }
0x89: {  	s6 =	sand.u32 $0x78, s16;
	s5 =	sshrl.u32 s5, $0x2;
	s0 =	sadd.s32 s27, s4  }
0x8a: {  	s4 =	smul.u32 $0x204, s14;
	s14 =	sadd.s32 $0x60, s3;
	s2 =	sshrl.u32 s2, $0x2  }
0x8b: {  	s5 =	sadd.s32 s5, s17;
	s14 =	sand.u32 $0x78, s14;
	s2 =	sadd.s32 s2, s17  }
0x8c: {  	s4 =	sshrl.u32 s4, $0x2;
	s14 =	smul.u32 $0x204, s14;
	s8 =	sadd.s32 s27, s2  }
0x8d: {  	s2 =	sadd.s32 s4, s17;
	s4 =	smul.u32 $0x204, s6;
	s6 =	sand.u32 $0x78, s7  }
0x8e: {  	s7 =	sadd.s32 $0x50, s3;
	s3 =	sadd.s32 $0x70, s3;
	s14 =	sshrl.u32 s14, $0x2  }
0x8f: {  	s6 =	smul.u32 $0x204, s6;
	s7 =	sand.u32 $0x78, s7;
	s3 =	sand.u32 $0x78, s3  }
0x90: {  	v1 =	vld.idx.msk [tilespmem:v0+s18+$0x0 ss:$0x1], $0xffff;
	s14 =	sadd.s32 s14, s17;
	s4 =	sshrl.u32 s4, $0x2;
	s7 =	smul.u32 $0x204, s7  }
0x91: {  	s3 =	smul.u32 $0x204, s3;
	s6 =	sshrl.u32 s6, $0x2;
	s4 =	sadd.s32 s4, s17  }
0x92: {  	s15 =	sadd.s32 s6, s17;
	s6 =	sadd.s32 s27, s5;
	s5 =	sadd.s32 s27, s4  }
0x93: {  	s7 =	sshrl.u32 s7, $0x2;
	s3 =	sshrl.u32 s3, $0x2;
	s4 =	sadd.s32 s27, s15  }
0x94: {  	s7 =	sadd.s32 s7, s17;
	s9 =	sadd.s32 s3, s17;
	s15 =	sadd.s32 $0xFFFFFC00, s25  }
0x95: {  	[tilespmem:s28+$0x0 ss:$0x81] =	vst.msk $0xffff, v1;
	v1 =	vld.idx.msk [tilespmem:v0+s18+$0x20 ss:$0x1], $0xffff;
	s3 =	sadd.s32 s27, s7;
	s7 =	sadd.s32 s27, s14;
	s14 =	sand.u32 $0x3C00, s15  }
0x96: {  	v2 =	vld.idx.msk [tilespmem:v0+s14+$0x70 ss:$0x1], $0xffff  }
0x97: {  	v3 =	vld.idx.msk [tilespmem:v0+s14+$0x0 ss:$0x1], $0xffff  }
0x98: {  	v4 =	vld.idx.msk [tilespmem:v0+s14+$0x10 ss:$0x1], $0xffff  }
0x99: {  	v5 =	vld.idx.msk [tilespmem:v0+s14+$0x20 ss:$0x1], $0xffff  }
0x9a: {  	s2 =	sadd.s32 s27, s2;
	v6 =	vld.idx.msk [tilespmem:v0+s14+$0x30 ss:$0x1], $0xffff  }
0x9b: {  	v7 =	vld.idx.msk [tilespmem:v0+s14+$0x40 ss:$0x1], $0xffff;
	[tilespmem:s2+$0x0 ss:$0x81] =	vst.msk $0xffff, v2  }
0x9c: {  	v8 =	vld.idx.msk [tilespmem:v0+s14+$0x50 ss:$0x1], $0xffff;
	[tilespmem:s28+$0x0 ss:$0x81] =	vst.msk $0xffff, v3  }
0x9d: {  	p2 =	sgt.s32 s21, $0x100;
	v9 =	vld.idx.msk [tilespmem:v0+s14+$0x60 ss:$0x1], $0xffff;
	[tilespmem:s29+$0x0 ss:$0x81] =	vst.msk $0xffff, v4  }
.Ltmp7:
0x9e: {  	v4 =	vld.idx.msk [tilespmem:v0+s18+$0x10 ss:$0x1], $0xffff;
	[tilespmem:s30+$0x0 ss:$0x81] =	vst.msk $0xffff, v5;
	(pc) =	sbr.rel @!p2 .LBB1_7-.Ltmp7, $4  }
0x9f: {  	[tilespmem:s1+$0x0 ss:$0x81] =	vst.msk $0xffff, v6;
	v2 =	vld.idx.msk [tilespmem:v0+s18+$0x30 ss:$0x1], $0xffff  }
0xa0: {  	[tilespmem:s31+$0x0 ss:$0x81] =	vst.msk $0xffff, v7;
	v3 =	vld.idx.msk [tilespmem:v0+s18+$0x40 ss:$0x1], $0xffff  }
0xa1: {  	[tilespmem:s0+$0x0 ss:$0x81] =	vst.msk $0xffff, v8;
	v5 =	vld.idx.msk [tilespmem:v0+s18+$0x50 ss:$0x1], $0xffff  }
0xa2: {  	s16 =	sadd.s32 s27, s9;
	s15 =	sadd.s32 $0x800, s25;
	s14 =	simm.s32 $0x100;
	[tilespmem:s8+$0x0 ss:$0x81] =	vst.msk $0xffff, v9;
	v6 =	vld.idx.msk [tilespmem:v0+s18+$0x60 ss:$0x1], $0xffff  }
.LBB1_6:
0xa3: {  	s9 =	sadd.s32 $0xFFFFFC00, s15;
	s14 =	sadd.s32 $0x100, s14;
	[tilespmem:s6+$0x0 ss:$0x81] =	vst.msk $0xffff, v4;
	v4 =	vld.idx.msk [tilespmem:v0+s18+$0x70 ss:$0x1], $0xffff;
	s18 =	sand.u32 $0x3C00, s15  }
0xa4: {  	s9 =	sand.u32 $0x3C00, s9;
	v7 =	vld.idx.msk [tilespmem:v0+s18+$0x0 ss:$0x1], $0xffff;
	p2 =	slt.s32 s14, s21;
	[tilespmem:s5+$0x0 ss:$0x81] =	vst.msk $0xffff, v1  }
0xa5: {  	v1 =	vld.idx.msk [tilespmem:v0+s9+$0x70 ss:$0x1], $0xffff;
	[tilespmem:s4+$0x0 ss:$0x81] =	vst.msk $0xffff, v2  }
0xa6: {  	v2 =	vld.idx.msk [tilespmem:v0+s9+$0x0 ss:$0x1], $0xffff;
	[tilespmem:s31+$0x0 ss:$0x81] =	vst.msk $0xffff, v3  }
0xa7: {  	v3 =	vld.idx.msk [tilespmem:v0+s9+$0x10 ss:$0x1], $0xffff;
	[tilespmem:s3+$0x0 ss:$0x81] =	vst.msk $0xffff, v5  }
0xa8: {  	v5 =	vld.idx.msk [tilespmem:v0+s9+$0x20 ss:$0x1], $0xffff;
	[tilespmem:s7+$0x0 ss:$0x81] =	vst.msk $0xffff, v6  }
0xa9: {  	v6 =	vld.idx.msk [tilespmem:v0+s9+$0x30 ss:$0x1], $0xffff;
	[tilespmem:s16+$0x0 ss:$0x81] =	vst.msk $0xffff, v4  }
0xaa: {  	v8 =	vld.idx.msk [tilespmem:v0+s9+$0x40 ss:$0x1], $0xffff;
	[tilespmem:s28+$0x0 ss:$0x81] =	vst.msk $0xffff, v7  }
0xab: {  	v7 =	vld.idx.msk [tilespmem:v0+s9+$0x50 ss:$0x1], $0xffff;
	[tilespmem:s2+$0x0 ss:$0x81] =	vst.msk $0xffff, v1  }
0xac: {  	[tilespmem:s28+$0x0 ss:$0x81] =	vst.msk $0xffff, v2;
	v9 =	vld.idx.msk [tilespmem:v0+s9+$0x60 ss:$0x1], $0xffff  }
0xad: {  	[tilespmem:s29+$0x0 ss:$0x81] =	vst.msk $0xffff, v3;
	v4 =	vld.idx.msk [tilespmem:v0+s18+$0x10 ss:$0x1], $0xffff  }
.Ltmp8:
0xae: {  	[tilespmem:s30+$0x0 ss:$0x81] =	vst.msk $0xffff, v5;
	v1 =	vld.idx.msk [tilespmem:v0+s18+$0x20 ss:$0x1], $0xffff;
	(pc) =	sbr.rel @p2 .LBB1_6-.Ltmp8, $4  }
0xaf: {  	[tilespmem:s1+$0x0 ss:$0x81] =	vst.msk $0xffff, v6;
	v2 =	vld.idx.msk [tilespmem:v0+s18+$0x30 ss:$0x1], $0xffff  }
0xb0: {  	[tilespmem:s31+$0x0 ss:$0x81] =	vst.msk $0xffff, v8;
	v3 =	vld.idx.msk [tilespmem:v0+s18+$0x40 ss:$0x1], $0xffff  }
0xb1: {  	[tilespmem:s0+$0x0 ss:$0x81] =	vst.msk $0xffff, v7;
	v5 =	vld.idx.msk [tilespmem:v0+s18+$0x50 ss:$0x1], $0xffff  }
0xb2: {  	s15 =	sadd.s32 $0x800, s15;
	[tilespmem:s8+$0x0 ss:$0x81] =	vst.msk $0xffff, v9;
	v6 =	vld.idx.msk [tilespmem:v0+s18+$0x60 ss:$0x1], $0xffff  }
.LBB1_7:
0xb3: {  	_ =	sdelay $0x2  }
0xb4: {  	[tilespmem:s6+$0x0 ss:$0x81] =	vst.msk $0xffff, v4  }
0xb5: {  	v0 =	vld.idx.msk [tilespmem:v0+s18+$0x70 ss:$0x1], $0xffff;
	[tilespmem:s5+$0x0 ss:$0x81] =	vst.msk $0xffff, v1  }
0xb6: {  	[tilespmem:s4+$0x0 ss:$0x81] =	vst.msk $0xffff, v2  }
0xb7: {  	[tilespmem:s31+$0x0 ss:$0x81] =	vst.msk $0xffff, v3  }
0xb8: {  	[tilespmem:s3+$0x0 ss:$0x81] =	vst.msk $0xffff, v5  }
0xb9: {  	[tilespmem:s7+$0x0 ss:$0x81] =	vst.msk $0xffff, v6  }
0xba: {  	[tilespmem:s16+$0x0 ss:$0x81] =	vst.msk $0xffff, v0  }
.LBB1_8:
.Ltmp9:
0xbb: {  	(pc) =	sbr.rel @p1 .LBB1_11-.Ltmp9, $1  }
0xbc: {  	_ =	sdelay $0x3  }
0xbd: {  	s1 =	sand.u32 $0x380, s26;
	s0 =	sshrl.u32 s24, $0x4;
	s2 =	sadd.s32 s27, s17  }
0xbe: {  	s3 =	smov.u32 s23;
	s4 =	smov.u32 s21;
	s1 =	sadd.s32 s1, s22  }
.LBB1_10:
0xbf: {  	s5 =	sand.u32 $0x3C00, s3  }
0xc0: {  	s5 =	sadd.s32 s26, s5  }
0xc1: {  	s5 =	sand.u32 $0x3C00, s5  }
0xc2: {  	s6 =	sand.u32 $0x70, s4;
	s30 =	sadd.s32 s4, s0;
	s5 =	sadd.s32 s5, s1  }
0xc3: {  	s4 =	sadd.s32 $0x10, s4;
	s31 =	sand.u32 $0x78, s30;
	s5 =	sadd.s32 s6, s5  }
0xc4: {  	p2 =	slt.s32 s4, s20;
	v0 =	vld [tilespmem:s5+$0x0];
	s5 =	smul.u32 $0x204, s31  }
.Ltmp10:
0xc5: {  	_ = 	snop;
	(pc) =	sbr.rel @p2 .LBB1_10-.Ltmp10, $4  }
0xc6: {  	_ = 	snop  }
0xc7: {  	s5 =	sshrl.u32 s5, $0x2  }
0xc8: {  	s5 =	sadd.s32 s5, s2  }
0xc9: {  	s3 =	sadd.s32 $0x80, s3;
	[tilespmem:s5+$0x0 ss:$0x81] =	vst.msk $0xffff, v0  }
.Ltmp11:
0xca: {  	_ = 	snop;
	(pc) =	sbr.rel .LBB1_11-.Ltmp11, $1  }
0xcb: {  	_ =	sdelay $0x3  }
.LBB1_14:
0xcc: {  	_ =	sfence.sel $0x180000  }
0xcd: {  	s0 =	simm.s32 $0x1;
	[bflag:$0x0] =	sbarrier.arrive $0xFFFF  }
0xce: {  	s30 =	simm.s32 $0x2;
	[sflag:s0] =	ssyncpa.u1 $0x1  }
0xcf: {  	[sflag:s30] =	ssyncpa.u1 $0x1  }
0xd0: {  	_ =	strace $0x90000047  }
0xd1: {  	s31 =	stileid.u32;
	[bflag:$0x2] =	sbarrier.arrive $0xFFFF  }
0xd2: {  	p0 =	sne.s32 s31, $0x0;
	s0 =	rddreg [dreg:$0x2]  }
0xd3: {  	s0 =	sadd.s32 @!p0 $0x100000, s0  }
0xd4: {  	[sflag:s0] =	ssyncadd.tile.s32 @!p0 $0x1;
	_ =	shalt  }
.Lfunc_end1:
_tile_overlayer_lowered:
.L_overlay_start_2:
0xd5: {  	(tag) =	ssettag $0x2  }
0xd6: {  	s0 =	rddreg [dreg:$0x0];
	s2 =	stileid.u32  }
0xd7: {  	s1 =	rddreg [dreg:$0x1];
	p0 =	sne.s32 s2, $0x0  }
0xd8: {  	s3 =	rddreg [dreg:$0x2];
	[bflag:$0x3] =	sbarrier.arrive $0xFFFF;
	s2 =	simm.s32 @!p0 $0x1C01  }
0xd9: {  	[timem:s3], [sflag:s2] =	dma.local @!p0 [hbm:s0], s1  }
0xda: {  	s0 =	simm.s32 @!p0 $0x1  }
0xdb: {  	_ =	swait.ge @!p0 [sflag:s0], s1  }
0xdc: {  	s1 =	ssub.s32 @!p0 $0x0, s1;
	[sflag:s0] =	ssyncset.done @!p0 $0x0  }
0xdd: {  	[sflag:s0] =	ssyncadd.s32 @!p0 s1  }
0xde: {  	[bflag:$0x3] =	sbarrier.arrive $0xFFFF  }
0xdf: {  	_ =	shalt  }

// kernel: sparse-core-data-format-call.cloned.1.call-start
scs
called_computation_lowered:
.L_overlay_start_0:
0x0: {  	s2 =	sld [smem:$0x3FD9]  }
0x1: {  	s3 =	sld [smem:$0x3FFE];
	_ =	sdelay $0x1  }
0x2: {  	s1 =	srdreg.scid  }
0x3: {  	s0 =	sand.u32 $0x1, s1  }
0x4: {  	s18 =	sshll.u32 s0, $0xA;
	s2 =	sadd.s32 s3, s2  }
0x5: {  	s2 =	sadd.s32 s2, s18  }
0x6: {  	[smem:$0x3FC4] =	sst s2  }
0x7: {  	_ = 	snop  }
0x8: {  	s2 =	sld [smem:$0x3FD0];
	(tm) =	ssettm $0x1  }
0x9: {  	s19 =	sld [smem:$0x3FFB];
	_ =	sdelay $0x3  }
0xa: {  	_ =	strace s19  }
0xb: {  	s3 =	sld [smem:$0x3FFC];
	_ =	sdelay $0x3  }
0xc: {  	_ =	strace s3  }
0xd: {  	s3 =	sld [smem:$0x3FFD];
	_ =	sdelay $0x3  }
0xe: {  	_ =	strace s3  }
0xf: {  	_ =	strace $0x8FFFFFFF  }
0x10: {  	s20 =	sld [smem:$0x3FDB];
	_ =	sdelay $0x1  }
0x11: {  	s4 =	simm.s32 $_scs_section_size  }
0x12: {  	s5 =	simm.s32 $_size__tile_overlayer_lowered;
	s6 =	simm.s32 $_tile_overlayer_lowered  }
0x13: {  	s23 =	simm.s32 $0x1BFF;
	s22 =	sshll.u32 s6, $0x1;
	s3 =	sadd.s32 s4, s20  }
0x14: {  	s7 =	simm.s32 $0x0;
	s21 =	sshll.u32 s5, $0x1;
	s5 =	sadd.s32 s22, s3  }
0x15: {  	[timem:s7], [sflag:s23] =	dma.local [hbm:s5], s21  }
0x16: {  	_ =	swait.ge [sflag:s23], s21  }
0x17: {  	s4 =	ssub.s32 $0x0, s21;
	[sflag:s23] =	ssyncset.done $0x0  }
0x18: {  	[sflag:s23] =	ssyncadd.s32 s4;
	_ =	sdelay $0x1  }
0x19: {  	s24 =	simm.s32 $0x1B8B  }
0x1a: {  	_ =	swait.ge [sflag:s24], $0x1  }
0x1b: {  	[sflag:s24] =	ssyncset.done $0x0  }
0x1c: {  	s26 =	simm.s32 $0x1B8E;
	s25 =	sld [smem:$0x3FFE];
	[sflag:s24] =	ssyncadd.s32 $0xFFFFFFFF  }
0x1d: {  	s27 =	simm.s32 $execute0_lowered;
	[smem:$0x3FD2] =	sst s26  }
0x1e: {  	s5 =	sshll.u32 s27, $0x1;
	_ =	strace $0x8000004C;
	[dreg:$0x1] =	wrdreg $0xFFFFFFFF  }
0x1f: {  	s28 =	simm.s32 $_size_execute0_lowered;
	s3 =	sadd.s32 s3, s5;
	[dreg:$0x0] =	wrdreg $0x0  }
0x20: {  	s5 =	sshll.u32 s28, $0x1;
	[dreg:$0x2] =	wrdreg s3  }
0x21: {  	[dreg:$0x3] =	wrdreg s5  }
0x22: {  	[dreg:$0x4] =	wrdreg $0xC0  }
0x23: {  	_ =	task [dreg:s7], $0x5FFFF  }
0x24: {  	[dreg:$0x1] =	wrdreg $0xFFFFFFFF  }
0x25: {  	[dreg:$0x0] =	wrdreg $0x60  }
0x26: {  	[dreg:$0x2] =	wrdreg s25  }
0x27: {  	[dreg:$0x3] =	wrdreg s2  }
0x28: {  	[dreg:$0x4] =	wrdreg $0x9  }
0x29: {  	_ =	task.clear_ibuf [dreg:s7], $0x5FFFF;
	_ =	strace $0x9000004C  }
0x2a: {  	s29 =	simm.s32 $0x9;
	_ =	strace $0x8000004E  }
0x2b: {  	_ =	swait.ge [sflag:s29], $0x1  }
0x2c: {  	[sflag:s29] =	ssyncadd.s32 $0xFFFFFFFF  }
0x2d: {  	_ =	strace $0x9000004E  }
0x2e: {  	_ =	sfence  }
0x2f: {  	s30 =	sld [smem:$0x0];
	_ =	sdelay $0x2  }
0x30: {  	s31 =	sshll.u32 s1, $0xD;
	s1 =	sshrl.u32 s1, $0x2  }
0x31: {  	s3 =	sand.u32 $0x4000, s31;
	s1 =	sadd.s32 s1, s30  }
0x32: {  	s0 =	sor.u32 s3, s0;
	s1 =	sshll.u32 s1, $0x11  }
0x33: {  	s0 =	sor.u32 s1, s0  }
0x34: {  	s0 =	sadd.s32 $0x8F2B, s0  }
0x35: {  	[sflag:s0] =	ssyncadd.remote.s32 $0x1  }
0x36: {  	_ =	sfence.sel $0xFFFF  }
0x37: {  	[dreg:$0x0] =	wrdreg $0xFFFFFFFF;
	(pc) =	sbr.abs _section_cstart, $3  }
0x38: {  	[dreg:$0x1] =	wrdreg $0xFFFFFFFF  }
0x39: {  	_ =	task.clear_ibuf [dreg:s7], $0x2FFFF;
	_ =	strace $0x9FFFFFFF  }
0x3a: {  	(tm) =	ssettm $0x7FFFFFFF  }
0x3b: {  	_ =	shalt  }
tec
execute0_lowered:
.L_overlay_start_1:
0x0: {  	(tag) =	ssettag $0x1  }
0x1: {  	s0 =	stileid.u32  }
0x2: {  	s1 =	srdreg.scid;
	s7 =	rddreg [dreg:$0x0]  }
0x3: {  	s8 =	simm.s32 $0x2;
	s17 =	simm.s32 $0x0;
	s2 =	sshll.u32 s0, $0x7  }
0x4: {  	s9 =	simm.s32 $0x2000;
	s3 =	sshll.u32 s1, $0x4;
	s1 =	sand.u32 $0x380, s2  }
0x5: {  	s19 =	simm.s32 $0x0;
	s30 =	sand.u32 $0x10, s3;
	s31 =	ssub.s32 $0x400, s1  }
0x6: {  	s18 =	simm.s32 $0x0;
	s2 =	sor.u32 s0, s30;
	s4 =	sand.u32 $0x380, s31  }
0x7: {  	s2 =	sshrl.u32 s2, $0x3;
	p0 =	sne.s32 s4, $0x0;
	s4 =	simm.s32 $0x1  }
0x8: {  	s3 =	sshrl.u32 s31, $0xA;
	s5 =	ssub.s32 $0x35, s2;
	s4 =	simm.s32 @!p0 $0x0  }
0x9: {  	s10 =	simm.s32 $0x0;
	s5 =	sshrl.u32 s5, $0x2;
	s3 =	sadd.s32 s4, s3  }
0xa: {  	s11 =	simm.s32 $0x0;
	s12 =	simm.s32 $0x0;
	s6 =	smul.u32 s3, s5  }
.Ltmp0:
0xb: {  	s13 =	simm.s32 $0x0;
	s4 =	rddreg [dreg:$0x1];
	(pc) =	sbr.rel .LBB1_1-.Ltmp0, $4  }
0xc: {  	s16 =	simm.s32 $0x0;
	s7 =	sadd.s32 $0x259200, s7;
	s3 =	rddreg [dreg:$0x2]  }
0xd: {  	_ =	strace $0x8000004D;
	s5 =	simm.s32 $0x1;
	s6 =	smul.u32 $0x3, s6  }
0xe: {  	s15 =	smov.u32 s1;
	s14 =	smov.u32 s2;
	[sflag:s5] =	ssyncpa.u1 $0x0  }
0xf: {  	p0 =	por $0x0, $0x0;
	[sflag:s8] =	ssyncpa.u1 $0x0;
	s8 =	sadd.s32 $0x1, s6  }
.LBB1_4:
0x10: {  	s25 =	sshll.u32 s10, $0xA;
	s24 =	sshra.s32 s24, $0x2;
	s26 =	sshll.u32 s12, $0x3  }
0x11: {  	p1 =	sgt.s32 s11, $0x31;
	s27 =	smov.u32 s11;
	s28 =	sshra.s32 s11, $0x1F  }
0x12: {  	p2 =	sgt.s32 s12, $0x380;
	s31 =	sshra.s32 s12, $0x1F;
	s25 =	sand.u32 $0xFFFFE000, s25  }
0x13: {  	s26 =	sand.u32 $0xFFFFFC00, s26;
	s27 =	simm.s32 @!p1 $0x31;
	s28 =	sand.u32 s28, s11  }
0x14: {  	[tilespmem:s22+$0x2040 ss:$0x81] =	vst.msk $0xffff, v4;
	s23 =	sadd.s32 s24, s23;
	s29 =	sadd.s32 s26, s25;
	s25 =	ssub.s32 s27, s28  }
0x15: {  	[tilespmem:s22+$0x2850 ss:$0x81] =	vst.msk $0xffff, v3;
	s27 =	smov.u32 s12;
	s28 =	smov.u32 s10;
	s26 =	sand.u32 s31, s12  }
0x16: {  	[tilespmem:s22+$0x3060 ss:$0x81] =	vst.msk $0xffff, v2;
	s24 =	sshrl.u32 s29, $0xA;
	s30 =	sadd.s32 $0xFFFFFFCF, s25;
	s27 =	simm.s32 @!p2 $0x380  }
0x17: {  	v5 =	vld [tilespmem:s21+$0xFFFFFFD0];
	[tilespmem:s22+$0x0 ss:$0x81] =	vst.msk $0xffff, v1;
	p2 =	sgt.s32 s10, $0xF0;
	s29 =	sshra.s32 s10, $0x1F;
	s22 =	ssub.s32 $0x32, s25  }
0x18: {  	v58 =	vld [tilespmem:s21+$0xFFFFFFE0];
	p1 =	sgt.s32 s30, $0x0;
	s28 =	simm.s32 @!p2 $0xF0;
	s29 =	sand.u32 s29, s10  }
0x19: {  	v59 =	vld [tilespmem:s21+$0xFFFFFFF0];
	s26 =	ssub.s32 s27, s26;
	s27 =	smulhi.u32 $0xB21643, s24;
	s28 =	ssub.s32 s28, s29  }
0x1a: {  	v60 =	vld [tilespmem:s21+$0x0];
	s30 =	sadd.s32 $0xFFFFFC80, s26;
	s25 =	ssub.s32 $0x400, s26;
	s22 =	simm.s32 @p1 $0x0  }
0x1b: {  	v61 =	vld [tilespmem:s21+$0x10];
	[tilespmem:s23+$0x3870 ss:$0x81] =	vst.msk $0xffff, v0;
	s29 =	sand.u32 $0x78, s12;
	p2 =	sgt.s32 s30, $0x7F;
	s31 =	sadd.s32 $0xFFFFFF10, s28  }
0x1c: {  	v62 =	vld [tilespmem:s21+$0x20];
	[tilespmem:s23+$0x810 ss:$0x81] =	vst.msk $0xffff, v5;
	s27 =	smul.u32 $0x170, s27;
	s30 =	sshll.u32 s10, $0x7;
	s28 =	ssub.s32 $0x170, s28  }
0x1d: {  	v63 =	vld [tilespmem:s21+$0xFFFFFFC0];
	[tilespmem:s23+$0x1020 ss:$0x81] =	vst.msk $0xffff, v58;
	s25 =	simm.s32 @p2 $0x0;
	p1 =	sgt.s32 s31, $0x7F;
	s31 =	smul.u32 $0xB800, s11  }
0x1e: {  	[tilespmem:s23+$0x1830 ss:$0x81] =	vst.msk $0xffff, v59;
	s21 =	sand.u32 $0x380, s30;
	s22 =	smul.u32 s25, s22;
	s28 =	simm.s32 @p1 $0x0  }
0x1f: {  	[tilespmem:s23+$0x2040 ss:$0x81] =	vst.msk $0xffff, v60;
	s21 =	sor.u32 s29, s21;
	s24 =	ssub.s32 s24, s27;
	s29 =	sand.u32 $0x7, s12  }
0x20: {  	[tilespmem:s23+$0x2850 ss:$0x81] =	vst.msk $0xffff, v61;
	s21 =	sshrl.u32 s21, $0x3;
	s25 =	sadd.s32 s4, s31;
	s22 =	smul.u32 s28, s22  }
0x21: {  	[tilespmem:s23+$0x3060 ss:$0x81] =	vst.msk $0xffff, v62;
	s24 =	sshll.u32 s24, $0x7;
	s30 =	sshll.u32 s29, $0x12;
	s21 =	sadd.s32 s21, s25  }
0x22: {  	[tilespmem:s23+$0x0 ss:$0x81] =	vst.msk $0xffff, v63;
	s31 =	sor.u32 $0x400, s30;
	s21 =	sadd.s32 s24, s21;
	s22 =	sand.u32 $0x3FFFFFFF, s22  }
0x23: {  	[hbm4b:s21+s31] =	stream.strided.scatter [tilespmem:s20], [sflag:$0x2], s22, s9, s31, $0x20;
	[tilespmem:$0x10100] =	vst v63  }
.LBB1_5:
0x24: {  	p1 =	slt.u32 s16, $0x2  }
0x25: {  	p2 =	sgt.s32 @!p1 s19, $0x31  }
0x26: {  	s20 =	smov.u32 s19;
	s21 =	sshra.s32 @!p1 s19, $0x1F;
	p2 =	por !p2, p1  }
0x27: {  	s19 =	sand.u32 @!p1 s21, s19;
	s20 =	simm.s32 @p2 $0x31  }
0x28: {  	p3 =	sgt.s32 @!p1 s18, $0x380;
	s19 =	ssub.s32 @!p1 s20, s19  }
0x29: {  	p3 =	por !p3, p1;
	s21 =	sshra.s32 @!p1 s18, $0x1F;
	s20 =	sadd.s32 @!p1 $0xFFFFFFCF, s19  }
0x2a: {  	s19 =	ssub.s32 @!p1 $0x32, s19;
	p2 =	sgt.s32 @!p1 s20, $0x0;
	s20 =	smov.u32 s18  }
0x2b: {  	s18 =	sand.u32 @!p1 s21, s18;
	s20 =	simm.s32 @p3 $0x380;
	p3 =	sgt.s32 @!p1 s17, $0xF0  }
0x2c: {  	s21 =	smov.u32 s17;
	p2 =	por !p2, p1;
	p3 =	por !p3, p1  }
0x2d: {  	s18 =	ssub.s32 @!p1 s20, s18;
	s20 =	sshra.s32 @!p1 s17, $0x1F;
	s19 =	simm.s32 @!p2 $0x0  }
0x2e: {  	s21 =	simm.s32 @p3 $0xF0;
	s17 =	sand.u32 @!p1 s20, s17;
	s20 =	sadd.s32 @!p1 $0xFFFFFC80, s18  }
0x2f: {  	s18 =	ssub.s32 @!p1 $0x400, s18;
	s17 =	ssub.s32 @!p1 s21, s17;
	p2 =	sgt.s32 @!p1 s20, $0x7F  }
0x30: {  	s21 =	smov.u32 s14;
	s20 =	sadd.s32 @!p1 $0xFFFFFF10, s17;
	p2 =	por !p2, p1  }
0x31: {  	s17 =	ssub.s32 @!p1 $0x170, s17;
	p3 =	sgt.s32 @!p1 s20, $0x7F;
	s18 =	simm.s32 @!p2 $0x0  }
0x32: {  	s20 =	sadd.s32 $0x80, s13;
	p2 =	por !p3, p1;
	s18 =	smul.u32 @!p1 s18, s19  }
0x33: {  	s19 =	sadd.s32 $0x4, s14;
	s17 =	simm.s32 @!p2 $0x0;
	p2 =	sgt.s32 s20, $0x16B  }
0x34: {  	s22 =	smov.u32 s15;
	s21 =	smov.u32 @p2 s19  }
0x35: {  	s17 =	smul.u32 @!p1 s17, s18;
	s18 =	sadd.s32 $0x400, s15;
	p3 =	sgt.s32 s21, $0x31  }
0x36: {  	p0 =	por !p0, !p0;
	s23 =	simm.s32 @!p1 $0x2;
	s22 =	smov.u32 @p3 s18  }
0x37: {  	s20 =	simm.s32 @p2 $0x0;
	s19 =	smov.u32 s11;
	p2 =	sgt.s32 s22, $0x3FF  }
0x38: {  	s11 =	smov.u32 s14;
	s22 =	smov.u32 @p2 s1;
	p2 =	sne.s32 s16, s8  }
.Ltmp1:
0x39: {  	s17 =	sand.u32 @!p1 $0x3FFFFFFF, s17;
	s21 =	smov.u32 @p3 s2;
	(pc) =	sbr.rel @!p2 .LBB1_6-.Ltmp1, $4  }
0x3a: {  	s18 =	smov.u32 s12;
	s12 =	smov.u32 s15;
	_ =	swait.ge @!p1 [sflag:s23], s17  }
0x3b: {  	s24 =	ssub.s32 @!p1 $0x0, s17;
	s17 =	smov.u32 s10;
	s10 =	smov.u32 s13  }
0x3c: {  	s13 =	smov.u32 s20;
	s14 =	smov.u32 s21;
	[sflag:s23] =	ssyncset.done @!p1 $0x0  }
0x3d: {  	s16 =	sadd.s32 $0x1, s16;
	[sflag:s23] =	ssyncadd.s32 @!p1 s24;
	s15 =	smov.u32 s22  }
.LBB1_1:
0x3e: {  	p1 =	sge.u32 s16, s6  }
0x3f: {  	s20 =	sshrl.u32 @!p1 s14, $0x3  }
0x40: {  	s21 =	sshll.u32 @!p1 s13, $0x3;
	s20 =	smul.u32 @!p1 $0xC00, s20  }
0x41: {  	s22 =	sshll.u32 @!p1 s14, $0x7;
	s21 =	sand.u32 @!p1 $0xFFFFFC00, s21  }
0x42: {  	s20 =	sadd.s32 @!p1 s20, s21;
	s21 =	sand.u32 @!p1 $0x380, s22  }
0x43: {  	s20 =	sor.u32 @!p1 s21, s20  }
0x44: {  	s21 =	sand.u32 @!p1 $0x7F, s13;
	s22 =	smulhi.u32 @!p1 $0xAAAAAAAB, s20  }
0x45: {  	s20 =	sor.u32 @!p1 s21, s20  }
0x46: {  	s21 =	smulhi.u32 @!p1 $0xAAAAAAAB, s20;
	s22 =	sshrl.u32 @!p1 s22, $0x8  }
0x47: {  	s23 =	smulhi.u32 @!p1 $0x4924925, s22;
	_ =	sdelay $0x1  }
0x48: {  	s21 =	sshrl.u32 @!p1 s21, $0x8;
	s23 =	smul.u32 @!p1 $0x38, s23  }
0x49: {  	s31 =	sadd.s32 $0xFFFFFFFF, s16;
	s21 =	smul.u32 @!p1 $0x180, s21  }
0x4a: {  	s24 =	sxor.u32 @!p1 $0xFFFFFFFF, s16;
	s22 =	ssub.s32 @!p1 s22, s23;
	s23 =	smul.u32 @!p1 $0xA80, s15  }
0x4b: {  	s24 =	sshll.u32 @!p1 s24, $0xE;
	s20 =	ssub.s32 @!p1 s20, s21;
	s21 =	smul.u32 @!p1 $0x30, s22  }
0x4c: {  	s22 =	sand.u32 @!p1 $0x4000, s24;
	s24 =	sand.u32 @!p1 $0x7, s20;
	s23 =	sadd.s32 @!p1 s7, s23  }
0x4d: {  	s20 =	sshrl.u32 @!p1 s20, $0x3;
	s21 =	sadd.s32 @!p1 s21, s23;
	s23 =	sshll.u32 @!p1 s24, $0x12  }
0x4e: {  	s20 =	sadd.s32 @!p1 s20, s21;
	s21 =	sor.u32 @!p1 $0x80, s23;
	s23 =	simm.s32 @!p1 $0x5400  }
0x4f: {  	[tilespmem:s22], [sflag:$0x1] =	stream.strided.gather @!p1 [hbm4b:s20+s21], $0x4000, s23, s21, $0x38;
	[tilespmem:$0x10100] =	vst v63  }
0x50: {  	p1 =	sge.u32 s31, s6  }
.Ltmp2:
0x51: {  	_ = 	snop;
	(pc) =	sbr.rel @p1 .LBB1_5-.Ltmp2, $1  }
0x52: {  	_ =	sdelay $0x3  }
0x53: {  	s20 =	simm.s32 $0x1  }
0x54: {  	_ =	swait.ge [sflag:s5], $0x4000;
	s20 =	simm.s32 @!p0 $0x0  }
0x55: {  	[sflag:s5] =	ssyncset.done $0x0;
	s21 =	sshll.u32 s20, $0xE  }
0x56: {  	[sflag:s5] =	ssyncadd.s32 $0xFFFFC000;
	s21 =	sor.u32 $0x40, s21  }
0x57: {  	s20 =	smul.u32 $0x10200, s20;
	v0 =	vld [tilespmem:s21+$0x30]  }
0x58: {  	v1 =	vld [tilespmem:s21+$0xFFFFFFD0]  }
0x59: {  	s20 =	sshrl.u32 s20, $0x2;
	v5 =	vld [tilespmem:s21+$0xFFFFFFE0]  }
0x5a: {  	v6 =	vld [tilespmem:s21+$0xFFFFFFF0];
	s23 =	sor.u32 $0x8000, s20  }
0x5b: {  	s31 =	sand.u32 $0x1, s16;
	v4 =	vld [tilespmem:s21+$0x0];
	s22 =	sadd.s32 $0x0, s23  }
0x5c: {  	v3 =	vld [tilespmem:s21+$0x10];
	s20 =	smul.u32 $0x10200, s31;
	[tilespmem:s22+$0x3870 ss:$0x81] =	vst.msk $0xffff, v0  }
0x5d: {  	v2 =	vld [tilespmem:s21+$0x20];
	[tilespmem:s22+$0x810 ss:$0x81] =	vst.msk $0xffff, v1  }
0x5e: {  	s20 =	sshrl.u32 s20, $0x2;
	v1 =	vld [tilespmem:s21+$0xFFFFFFC0];
	[tilespmem:s22+$0x1020 ss:$0x81] =	vst.msk $0xffff, v5;
	s21 =	sadd.s32 $0x80, s21  }
0x5f: {  	s24 =	simm.s32 $0x4;
	s25 =	simm.s32 $0x8;
	s20 =	sor.u32 $0x8000, s20;
	[tilespmem:s22+$0x1830 ss:$0x81] =	vst.msk $0xffff, v6;
	v0 =	vld [tilespmem:s21+$0x30]  }
.LBB1_3:
0x60: {  	p1 =	sne.s32 s25, $0x1FC;
	v5 =	vld [tilespmem:s21+$0xFFFFFFD0];
	[tilespmem:s22+$0x2040 ss:$0x81] =	vst.msk $0xffff, v4  }
0x61: {  	v6 =	vld [tilespmem:s21+$0xFFFFFFE0];
	[tilespmem:s22+$0x2850 ss:$0x81] =	vst.msk $0xffff, v3  }
0x62: {  	s26 =	sshra.s32 s24, $0x2;
	s24 =	smov.u32 s25;
	v7 =	vld [tilespmem:s21+$0xFFFFFFF0];
	[tilespmem:s22+$0x3060 ss:$0x81] =	vst.msk $0xffff, v2  }
.Ltmp3:
0x63: {  	v4 =	vld [tilespmem:s21+$0x0];
	[tilespmem:s22+$0x0 ss:$0x81] =	vst.msk $0xffff, v1;
	s22 =	sadd.s32 s26, s23;
	(pc) =	sbr.rel @p1 .LBB1_3-.Ltmp3, $4  }
0x64: {  	v3 =	vld [tilespmem:s21+$0x10];
	[tilespmem:s22+$0x3870 ss:$0x81] =	vst.msk $0xffff, v0  }
0x65: {  	[tilespmem:s22+$0x810 ss:$0x81] =	vst.msk $0xffff, v5;
	v2 =	vld [tilespmem:s21+$0x20]  }
0x66: {  	v1 =	vld [tilespmem:s21+$0xFFFFFFC0];
	[tilespmem:s22+$0x1020 ss:$0x81] =	vst.msk $0xffff, v6;
	s21 =	sadd.s32 $0x80, s21  }
0x67: {  	s25 =	sadd.s32 $0x4, s25;
	v0 =	vld [tilespmem:s21+$0x30];
	[tilespmem:s22+$0x1830 ss:$0x81] =	vst.msk $0xffff, v7  }
.Ltmp4:
0x68: {  	_ = 	snop;
	(pc) =	sbr.rel .LBB1_4-.Ltmp4, $1  }
0x69: {  	_ =	sdelay $0x3  }
.LBB1_6:
0x6a: {  	_ =	sfence.sel $0x180000  }
0x6b: {  	s1 =	simm.s32 $0x1;
	[bflag:$0x0] =	sbarrier.arrive $0xFFFF  }
0x6c: {  	s31 =	simm.s32 $0x2;
	[sflag:s1] =	ssyncpa.u1 $0x1  }
0x6d: {  	[sflag:s31] =	ssyncpa.u1 $0x1  }
0x6e: {  	p0 =	sne.s32 s0, $0x0;
	_ =	strace $0x9000004D  }
0x6f: {  	s0 =	sadd.s32 @!p0 $0x100000, s3;
	[bflag:$0x2] =	sbarrier.arrive $0xFFFF  }
0x70: {  	[sflag:s0] =	ssyncadd.tile.s32 @!p0 $0x1;
	_ =	shalt  }
.Lfunc_end1:
_tile_overlayer_lowered:
.L_overlay_start_2:
0x71: {  	(tag) =	ssettag $0x2  }
0x72: {  	s0 =	rddreg [dreg:$0x0];
	s2 =	stileid.u32  }
0x73: {  	s1 =	rddreg [dreg:$0x1];
	p0 =	sne.s32 s2, $0x0  }
0x74: {  	s3 =	rddreg [dreg:$0x2];
	[bflag:$0x3] =	sbarrier.arrive $0xFFFF;
	s2 =	simm.s32 @!p0 $0x1C01  }
0x75: {  	[timem:s3], [sflag:s2] =	dma.local @!p0 [hbm:s0], s1  }
0x76: {  	s0 =	simm.s32 @!p0 $0x1  }
0x77: {  	_ =	swait.ge @!p0 [sflag:s0], s1  }
0x78: {  	s1 =	ssub.s32 @!p0 $0x0, s1;
	[sflag:s0] =	ssyncset.done @!p0 $0x0  }
0x79: {  	[sflag:s0] =	ssyncadd.s32 @!p0 s1  }
0x7a: {  	[bflag:$0x3] =	sbarrier.arrive $0xFFFF  }
0x7b: {  	_ =	shalt  }

</sc_bundles>
